<compile_context>
chip_gen: v7x
topology: tpu7x:2x2x1
jax: 0.10.2.dev20260603
libtpu: 0.0.44.dev20260713+nightly
codegen_flags: <defaults>
</compile_context>

<pallas_src>
import functools

import jax
import jax.numpy as jnp
from jax import lax
from jax.experimental import pallas as pl
from jax.experimental.pallas import tpu as pltpu
from jax.experimental.pallas import tpu_sc as plsc

DIM = 64
NBUF = 8


@functools.partial(jax.jit, static_argnames=("n_chunks", "chunk"))
def _sc_gather(table, idx3, n_chunks, chunk):
    nw = idx3.shape[0]
    b_per_w = n_chunks * chunk
    b_total = nw * b_per_w
    n_rounds = n_chunks // NBUF
    mesh = plsc.VectorSubcoreMesh(core_axis_name="c", subcore_axis_name="s")

    @functools.partial(
        pl.kernel,
        mesh=mesh,
        out_type=jax.ShapeDtypeStruct((b_total // 4096, 4096, 1, DIM), jnp.float32),
        scratch_types=[
            pltpu.VMEM((n_chunks, chunk), jnp.int32),
            pltpu.VMEM((NBUF, chunk, DIM), jnp.float32),
        ]
        + [pltpu.SemaphoreType.DMA] * (2 * NBUF),
        compiler_params=pltpu.CompilerParams(use_tc_tiling_on_sc=False),
    )
    def k(table_hbm, idx_hbm, out_hbm, idx_v, rows_v, *sems):
        gs, ws = sems[:NBUF], sems[NBUF:]
        nc = lax.axis_size("c")
        wid = lax.axis_index("s") * nc + lax.axis_index("c")
        base = wid * b_per_w
        pltpu.sync_copy(idx_hbm.at[wid], idx_v)

        def start_gather(b, j):
            pltpu.async_copy(table_hbm.at[idx_v.at[j]], rows_v.at[b], gs[b])

        def wait_gather(b):
            pltpu.make_async_copy(
                table_hbm.at[idx_v.at[0]], rows_v.at[b], gs[b]
            ).wait()

        def start_write(b, j):
            flat = base + j * chunk
            s = flat // 4096
            b0 = flat - s * 4096
            pltpu.async_copy(
                rows_v.at[b], out_hbm.at[s, pl.ds(b0, chunk), 0], ws[b]
            )

        def wait_write(b):
            pltpu.make_async_copy(
                rows_v.at[b], out_hbm.at[0, pl.ds(0, chunk), 0], ws[b]
            ).wait()

        for b in range(NBUF - 1):
            start_gather(b, b)

        def round_body(r, carry):
            for b in range(NBUF):
                j = r * NBUF + b
                wait_gather(b)
                start_write(b, j)
                b2 = (b + NBUF - 1) % NBUF
                if b == 0:
                    @pl.when(r >= 1)
                    def _():
                        wait_write(b2)

                    start_gather(b2, j + NBUF - 1)
                else:
                    wait_write(b2)

                    @pl.when(j + NBUF - 1 < n_chunks)
                    def _():
                        start_gather(b2, j + NBUF - 1)
            return carry

        lax.fori_loop(0, n_rounds, round_body, 0)
        wait_write((n_chunks - 1) % NBUF)

    return k(table, idx3)


def kernel(source, table):
    seq, batch, one = source.shape
    b_total = seq * batch * one
    nw = 32
    chunk = 128
    n_chunks = b_total // (nw * chunk)
    idx3 = source.reshape(nw, n_chunks, chunk)
    out = _sc_gather(table, idx3, n_chunks, chunk)
    return out.reshape(seq, batch, one, DIM)

# --- scband reference (transcript-rebuilt; emitter-appended) ---
"""Pipeline reference for scband-embeddings-9259949490259 (READ-ONLY COPY).

The authoritative reference and input builder live on the scoring server;
editing this copy changes nothing except your own understanding.
"""

import jax, jax.numpy as jnp
import numpy as np

VOCAB = 1000000
DIM = 64
PAD_IDX = 0

def setup_inputs(seed: int = 0) -> dict:
    key = jax.random.key(seed)
    k1, k2 = jax.random.split(key)
    source = jax.random.randint(k1, (200, 4096, 1), 0, VOCAB, dtype=jnp.int32)
    table = jax.random.normal(k2, (VOCAB, DIM), dtype=jnp.float32)
    # nn.Embedding zeroes the padding_idx row at init
    table = table.at[PAD_IDX].set(0.0)
    return {"source": source, "table": table}

def reference(source, table):
    # Embeddings.forward: emb = make_embedding(source) -> nn.Embedding lookup
    # position_encoding=False, so this is a pure gather.
    # source: [len, batch, 1] -> emb: [len, batch, 1, dim]
    emb = jnp.take(table, source, axis=0)
    return emb

if __name__ == "__main__":
    import jax
    _d = setup_inputs()
    print(jax.jit(kernel)(*tuple(_d.values())))

</pallas_src>

<mosaic_0001>
#map = affine_map<(d0, d1) -> (0, 0)>
#map1 = affine_map<(d0, d1) -> (0, 0, 0)>
#map2 = affine_map<(d0, d1) -> (0, 0, 0, 0)>
module attributes {stable_mosaic.version = 14 : i64} {
  func.func @k(%arg0: i32, %arg1: i32, %arg2: memref<1000000x64xf32, #tpu.memory_space<hbm>>, %arg3: memref<32x200x128xi32, #tpu.memory_space<hbm>>, %arg4: memref<200x4096x1x64xf32, #tpu.memory_space<hbm>>, %arg5: memref<200x128xi32, #tpu.memory_space<vmem>>, %arg6: memref<8x128x64xf32, #tpu.memory_space<vmem>>, %arg7: memref<!tpu.dma_semaphore, #tpu.memory_space<semaphore_mem>>, %arg8: memref<!tpu.dma_semaphore, #tpu.memory_space<semaphore_mem>>, %arg9: memref<!tpu.dma_semaphore, #tpu.memory_space<semaphore_mem>>, %arg10: memref<!tpu.dma_semaphore, #tpu.memory_space<semaphore_mem>>, %arg11: memref<!tpu.dma_semaphore, #tpu.memory_space<semaphore_mem>>, %arg12: memref<!tpu.dma_semaphore, #tpu.memory_space<semaphore_mem>>, %arg13: memref<!tpu.dma_semaphore, #tpu.memory_space<semaphore_mem>>, %arg14: memref<!tpu.dma_semaphore, #tpu.memory_space<semaphore_mem>>, %arg15: memref<!tpu.dma_semaphore, #tpu.memory_space<semaphore_mem>>, %arg16: memref<!tpu.dma_semaphore, #tpu.memory_space<semaphore_mem>>, %arg17: memref<!tpu.dma_semaphore, #tpu.memory_space<semaphore_mem>>, %arg18: memref<!tpu.dma_semaphore, #tpu.memory_space<semaphore_mem>>, %arg19: memref<!tpu.dma_semaphore, #tpu.memory_space<semaphore_mem>>, %arg20: memref<!tpu.dma_semaphore, #tpu.memory_space<semaphore_mem>>, %arg21: memref<!tpu.dma_semaphore, #tpu.memory_space<semaphore_mem>>, %arg22: memref<!tpu.dma_semaphore, #tpu.memory_space<semaphore_mem>>) attributes {dimension_semantics = [#tpu.dimension_semantics<core_parallel>, #tpu.dimension_semantics<subcore_parallel>], iteration_bounds = array<i64: 2, 16>, scalar_prefetch = 0 : i64, scratch_operands = 18 : i64, tpu.core_type = #tpu.core_type<sc_vector_subcore>, window_params = [{transform_indices = #map}, {transform_indices = #map1}, {transform_indices = #map2}]} {
    %mul3A = arith.constant 2 : i32
    %mul3A_0 = arith.muli %arg1, %mul3A : i32
    %add3A = arith.addi %mul3A_0, %arg0 : i32
    %mul3A_1 = arith.constant 25600 : i32
    %mul3A_2 = arith.muli %add3A, %mul3A_1 : i32
    "tpu.region"() ({
      %run_scoped3A = tpu.sem_alloc : memref<!tpu.dma_semaphore, #tpu.memory_space<semaphore_mem>>
      %dma_start3A_109 = arith.constant 0 : i32
      %dma_start3A_110 = arith.constant 0 : i32
      %dma_start3A_111 = tpu.memref_slice %arg3[%add3A, %dma_start3A_109, %dma_start3A_110] : memref<32x200x128xi32, #tpu.memory_space<hbm>> -> memref<1x200x128xi32, #tpu.memory_space<hbm>>
      %dma_start3A_112 = tpu.memref_squeeze %dma_start3A_111 : memref<1x200x128xi32, #tpu.memory_space<hbm>> -> memref<200x128xi32, #tpu.memory_space<hbm>>
      %dma_start3A_113 = arith.constant 0 : i32
      %dma_start3A_114 = arith.constant 0 : i32
      %dma_start3A_115 = tpu.memref_slice %arg3[%add3A, %dma_start3A_113, %dma_start3A_114] : memref<32x200x128xi32, #tpu.memory_space<hbm>> -> memref<1x200x128xi32, #tpu.memory_space<hbm>>
      %dma_start3A_116 = tpu.memref_squeeze %dma_start3A_115 : memref<1x200x128xi32, #tpu.memory_space<hbm>> -> memref<200x128xi32, #tpu.memory_space<hbm>>
      tpu.enqueue_dma source(%dma_start3A_116 : memref<200x128xi32, #tpu.memory_space<hbm>>) target(%arg5 : memref<200x128xi32, #tpu.memory_space<vmem>>) target_semaphore(%run_scoped3A : memref<!tpu.dma_semaphore, #tpu.memory_space<semaphore_mem>>)
      %dma_wait3A_117 = arith.constant 0 : i32
      %dma_wait3A_118 = arith.constant 0 : i32
      %dma_wait3A_119 = tpu.memref_slice %arg3[%add3A, %dma_wait3A_117, %dma_wait3A_118] : memref<32x200x128xi32, #tpu.memory_space<hbm>> -> memref<1x200x128xi32, #tpu.memory_space<hbm>>
      %dma_wait3A_120 = tpu.memref_squeeze %dma_wait3A_119 : memref<1x200x128xi32, #tpu.memory_space<hbm>> -> memref<200x128xi32, #tpu.memory_space<hbm>>
      %dma_wait3A_121 = arith.constant 0 : i32
      %dma_wait3A_122 = arith.constant 0 : i32
      %dma_wait3A_123 = tpu.memref_slice %arg3[%add3A, %dma_wait3A_121, %dma_wait3A_122] : memref<32x200x128xi32, #tpu.memory_space<hbm>> -> memref<1x200x128xi32, #tpu.memory_space<hbm>>
      %dma_wait3A_124 = tpu.memref_squeeze %dma_wait3A_123 : memref<1x200x128xi32, #tpu.memory_space<hbm>> -> memref<200x128xi32, #tpu.memory_space<hbm>>
      tpu.wait_dma2 semaphore(%run_scoped3A : memref<!tpu.dma_semaphore, #tpu.memory_space<semaphore_mem>>) src(%dma_wait3A_124 : memref<200x128xi32, #tpu.memory_space<hbm>>) dst(%arg5 : memref<200x128xi32, #tpu.memory_space<vmem>>)
      tpu.yield
    }) : () -> ()
    %dma_start3A = arith.constant 0 : i32
    %dma_start3A_3 = arith.constant 0 : i32
    %dma_start3A_4 = arith.constant 0 : i32
    %dma_start3A_5 = arith.constant 0 : i32
    %dma_start3A_6 = tpu.memref_slice %arg6[%dma_start3A_3, %dma_start3A_4, %dma_start3A_5] : memref<8x128x64xf32, #tpu.memory_space<vmem>> -> memref<1x128x64xf32, #tpu.memory_space<vmem>>
    %dma_start3A_7 = tpu.memref_squeeze %dma_start3A_6 : memref<1x128x64xf32, #tpu.memory_space<vmem>> -> memref<128x64xf32, #tpu.memory_space<vmem>>
    %dma_start3A_8 = arith.constant 0 : i32
    %dma_start3A_9 = tpu.memref_slice %arg5[%dma_start3A, %dma_start3A_8] : memref<200x128xi32, #tpu.memory_space<vmem>> -> memref<1x128xi32, #tpu.memory_space<vmem>>
    %dma_start3A_10 = tpu.memref_squeeze %dma_start3A_9 : memref<1x128xi32, #tpu.memory_space<vmem>> -> memref<128xi32, #tpu.memory_space<vmem>>
    %dma_start3A_11 = arith.constant 0 : i32
    %dma_start3A_12 = arith.constant 0 : i32
    %dma_start3A_13 = tpu.memref_slice %arg2[%dma_start3A_11, %dma_start3A_12] : memref<1000000x64xf32, #tpu.memory_space<hbm>> -> memref<1000000x64xf32, #tpu.memory_space<hbm>>
    tpu.enqueue_indirect_dma source(%dma_start3A_13 : memref<1000000x64xf32, #tpu.memory_space<hbm>>) target(%dma_start3A_7 : memref<128x64xf32, #tpu.memory_space<vmem>>) offsets(%dma_start3A_10 : memref<128xi32, #tpu.memory_space<vmem>>) semaphore(%arg7 : memref<!tpu.dma_semaphore, #tpu.memory_space<semaphore_mem>>)
    %dma_start3A_14 = arith.constant 1 : i32
    %dma_start3A_15 = arith.constant 1 : i32
    %dma_start3A_16 = arith.constant 0 : i32
    %dma_start3A_17 = arith.constant 0 : i32
    %dma_start3A_18 = tpu.memref_slice %arg6[%dma_start3A_15, %dma_start3A_16, %dma_start3A_17] : memref<8x128x64xf32, #tpu.memory_space<vmem>> -> memref<1x128x64xf32, #tpu.memory_space<vmem>>
    %dma_start3A_19 = tpu.memref_squeeze %dma_start3A_18 : memref<1x128x64xf32, #tpu.memory_space<vmem>> -> memref<128x64xf32, #tpu.memory_space<vmem>>
    %dma_start3A_20 = arith.constant 0 : i32
    %dma_start3A_21 = tpu.memref_slice %arg5[%dma_start3A_14, %dma_start3A_20] : memref<200x128xi32, #tpu.memory_space<vmem>> -> memref<1x128xi32, #tpu.memory_space<vmem>>
    %dma_start3A_22 = tpu.memref_squeeze %dma_start3A_21 : memref<1x128xi32, #tpu.memory_space<vmem>> -> memref<128xi32, #tpu.memory_space<vmem>>
    %dma_start3A_23 = arith.constant 0 : i32
    %dma_start3A_24 = arith.constant 0 : i32
    %dma_start3A_25 = tpu.memref_slice %arg2[%dma_start3A_23, %dma_start3A_24] : memref<1000000x64xf32, #tpu.memory_space<hbm>> -> memref<1000000x64xf32, #tpu.memory_space<hbm>>
    tpu.enqueue_indirect_dma source(%dma_start3A_25 : memref<1000000x64xf32, #tpu.memory_space<hbm>>) target(%dma_start3A_19 : memref<128x64xf32, #tpu.memory_space<vmem>>) offsets(%dma_start3A_22 : memref<128xi32, #tpu.memory_space<vmem>>) semaphore(%arg8 : memref<!tpu.dma_semaphore, #tpu.memory_space<semaphore_mem>>)
    %dma_start3A_26 = arith.constant 2 : i32
    %dma_start3A_27 = arith.constant 2 : i32
    %dma_start3A_28 = arith.constant 0 : i32
    %dma_start3A_29 = arith.constant 0 : i32
    %dma_start3A_30 = tpu.memref_slice %arg6[%dma_start3A_27, %dma_start3A_28, %dma_start3A_29] : memref<8x128x64xf32, #tpu.memory_space<vmem>> -> memref<1x128x64xf32, #tpu.memory_space<vmem>>
    %dma_start3A_31 = tpu.memref_squeeze %dma_start3A_30 : memref<1x128x64xf32, #tpu.memory_space<vmem>> -> memref<128x64xf32, #tpu.memory_space<vmem>>
    %dma_start3A_32 = arith.constant 0 : i32
    %dma_start3A_33 = tpu.memref_slice %arg5[%dma_start3A_26, %dma_start3A_32] : memref<200x128xi32, #tpu.memory_space<vmem>> -> memref<1x128xi32, #tpu.memory_space<vmem>>
    %dma_start3A_34 = tpu.memref_squeeze %dma_start3A_33 : memref<1x128xi32, #tpu.memory_space<vmem>> -> memref<128xi32, #tpu.memory_space<vmem>>
    %dma_start3A_35 = arith.constant 0 : i32
    %dma_start3A_36 = arith.constant 0 : i32
    %dma_start3A_37 = tpu.memref_slice %arg2[%dma_start3A_35, %dma_start3A_36] : memref<1000000x64xf32, #tpu.memory_space<hbm>> -> memref<1000000x64xf32, #tpu.memory_space<hbm>>
    tpu.enqueue_indirect_dma source(%dma_start3A_37 : memref<1000000x64xf32, #tpu.memory_space<hbm>>) target(%dma_start3A_31 : memref<128x64xf32, #tpu.memory_space<vmem>>) offsets(%dma_start3A_34 : memref<128xi32, #tpu.memory_space<vmem>>) semaphore(%arg9 : memref<!tpu.dma_semaphore, #tpu.memory_space<semaphore_mem>>)
    %dma_start3A_38 = arith.constant 3 : i32
    %dma_start3A_39 = arith.constant 3 : i32
    %dma_start3A_40 = arith.constant 0 : i32
    %dma_start3A_41 = arith.constant 0 : i32
    %dma_start3A_42 = tpu.memref_slice %arg6[%dma_start3A_39, %dma_start3A_40, %dma_start3A_41] : memref<8x128x64xf32, #tpu.memory_space<vmem>> -> memref<1x128x64xf32, #tpu.memory_space<vmem>>
    %dma_start3A_43 = tpu.memref_squeeze %dma_start3A_42 : memref<1x128x64xf32, #tpu.memory_space<vmem>> -> memref<128x64xf32, #tpu.memory_space<vmem>>
    %dma_start3A_44 = arith.constant 0 : i32
    %dma_start3A_45 = tpu.memref_slice %arg5[%dma_start3A_38, %dma_start3A_44] : memref<200x128xi32, #tpu.memory_space<vmem>> -> memref<1x128xi32, #tpu.memory_space<vmem>>
    %dma_start3A_46 = tpu.memref_squeeze %dma_start3A_45 : memref<1x128xi32, #tpu.memory_space<vmem>> -> memref<128xi32, #tpu.memory_space<vmem>>
    %dma_start3A_47 = arith.constant 0 : i32
    %dma_start3A_48 = arith.constant 0 : i32
    %dma_start3A_49 = tpu.memref_slice %arg2[%dma_start3A_47, %dma_start3A_48] : memref<1000000x64xf32, #tpu.memory_space<hbm>> -> memref<1000000x64xf32, #tpu.memory_space<hbm>>
    tpu.enqueue_indirect_dma source(%dma_start3A_49 : memref<1000000x64xf32, #tpu.memory_space<hbm>>) target(%dma_start3A_43 : memref<128x64xf32, #tpu.memory_space<vmem>>) offsets(%dma_start3A_46 : memref<128xi32, #tpu.memory_space<vmem>>) semaphore(%arg10 : memref<!tpu.dma_semaphore, #tpu.memory_space<semaphore_mem>>)
    %dma_start3A_50 = arith.constant 4 : i32
    %dma_start3A_51 = arith.constant 4 : i32
    %dma_start3A_52 = arith.constant 0 : i32
    %dma_start3A_53 = arith.constant 0 : i32
    %dma_start3A_54 = tpu.memref_slice %arg6[%dma_start3A_51, %dma_start3A_52, %dma_start3A_53] : memref<8x128x64xf32, #tpu.memory_space<vmem>> -> memref<1x128x64xf32, #tpu.memory_space<vmem>>
    %dma_start3A_55 = tpu.memref_squeeze %dma_start3A_54 : memref<1x128x64xf32, #tpu.memory_space<vmem>> -> memref<128x64xf32, #tpu.memory_space<vmem>>
    %dma_start3A_56 = arith.constant 0 : i32
    %dma_start3A_57 = tpu.memref_slice %arg5[%dma_start3A_50, %dma_start3A_56] : memref<200x128xi32, #tpu.memory_space<vmem>> -> memref<1x128xi32, #tpu.memory_space<vmem>>
    %dma_start3A_58 = tpu.memref_squeeze %dma_start3A_57 : memref<1x128xi32, #tpu.memory_space<vmem>> -> memref<128xi32, #tpu.memory_space<vmem>>
    %dma_start3A_59 = arith.constant 0 : i32
    %dma_start3A_60 = arith.constant 0 : i32
    %dma_start3A_61 = tpu.memref_slice %arg2[%dma_start3A_59, %dma_start3A_60] : memref<1000000x64xf32, #tpu.memory_space<hbm>> -> memref<1000000x64xf32, #tpu.memory_space<hbm>>
    tpu.enqueue_indirect_dma source(%dma_start3A_61 : memref<1000000x64xf32, #tpu.memory_space<hbm>>) target(%dma_start3A_55 : memref<128x64xf32, #tpu.memory_space<vmem>>) offsets(%dma_start3A_58 : memref<128xi32, #tpu.memory_space<vmem>>) semaphore(%arg11 : memref<!tpu.dma_semaphore, #tpu.memory_space<semaphore_mem>>)
    %dma_start3A_62 = arith.constant 5 : i32
    %dma_start3A_63 = arith.constant 5 : i32
    %dma_start3A_64 = arith.constant 0 : i32
    %dma_start3A_65 = arith.constant 0 : i32
    %dma_start3A_66 = tpu.memref_slice %arg6[%dma_start3A_63, %dma_start3A_64, %dma_start3A_65] : memref<8x128x64xf32, #tpu.memory_space<vmem>> -> memref<1x128x64xf32, #tpu.memory_space<vmem>>
    %dma_start3A_67 = tpu.memref_squeeze %dma_start3A_66 : memref<1x128x64xf32, #tpu.memory_space<vmem>> -> memref<128x64xf32, #tpu.memory_space<vmem>>
    %dma_start3A_68 = arith.constant 0 : i32
    %dma_start3A_69 = tpu.memref_slice %arg5[%dma_start3A_62, %dma_start3A_68] : memref<200x128xi32, #tpu.memory_space<vmem>> -> memref<1x128xi32, #tpu.memory_space<vmem>>
    %dma_start3A_70 = tpu.memref_squeeze %dma_start3A_69 : memref<1x128xi32, #tpu.memory_space<vmem>> -> memref<128xi32, #tpu.memory_space<vmem>>
    %dma_start3A_71 = arith.constant 0 : i32
    %dma_start3A_72 = arith.constant 0 : i32
    %dma_start3A_73 = tpu.memref_slice %arg2[%dma_start3A_71, %dma_start3A_72] : memref<1000000x64xf32, #tpu.memory_space<hbm>> -> memref<1000000x64xf32, #tpu.memory_space<hbm>>
    tpu.enqueue_indirect_dma source(%dma_start3A_73 : memref<1000000x64xf32, #tpu.memory_space<hbm>>) target(%dma_start3A_67 : memref<128x64xf32, #tpu.memory_space<vmem>>) offsets(%dma_start3A_70 : memref<128xi32, #tpu.memory_space<vmem>>) semaphore(%arg12 : memref<!tpu.dma_semaphore, #tpu.memory_space<semaphore_mem>>)
    %dma_start3A_74 = arith.constant 6 : i32
    %dma_start3A_75 = arith.constant 6 : i32
    %dma_start3A_76 = arith.constant 0 : i32
    %dma_start3A_77 = arith.constant 0 : i32
    %dma_start3A_78 = tpu.memref_slice %arg6[%dma_start3A_75, %dma_start3A_76, %dma_start3A_77] : memref<8x128x64xf32, #tpu.memory_space<vmem>> -> memref<1x128x64xf32, #tpu.memory_space<vmem>>
    %dma_start3A_79 = tpu.memref_squeeze %dma_start3A_78 : memref<1x128x64xf32, #tpu.memory_space<vmem>> -> memref<128x64xf32, #tpu.memory_space<vmem>>
    %dma_start3A_80 = arith.constant 0 : i32
    %dma_start3A_81 = tpu.memref_slice %arg5[%dma_start3A_74, %dma_start3A_80] : memref<200x128xi32, #tpu.memory_space<vmem>> -> memref<1x128xi32, #tpu.memory_space<vmem>>
    %dma_start3A_82 = tpu.memref_squeeze %dma_start3A_81 : memref<1x128xi32, #tpu.memory_space<vmem>> -> memref<128xi32, #tpu.memory_space<vmem>>
    %dma_start3A_83 = arith.constant 0 : i32
    %dma_start3A_84 = arith.constant 0 : i32
    %dma_start3A_85 = tpu.memref_slice %arg2[%dma_start3A_83, %dma_start3A_84] : memref<1000000x64xf32, #tpu.memory_space<hbm>> -> memref<1000000x64xf32, #tpu.memory_space<hbm>>
    tpu.enqueue_indirect_dma source(%dma_start3A_85 : memref<1000000x64xf32, #tpu.memory_space<hbm>>) target(%dma_start3A_79 : memref<128x64xf32, #tpu.memory_space<vmem>>) offsets(%dma_start3A_82 : memref<128xi32, #tpu.memory_space<vmem>>) semaphore(%arg13 : memref<!tpu.dma_semaphore, #tpu.memory_space<semaphore_mem>>)
    %scan3A = arith.constant 0 : i32
    %scan3A_86 = arith.constant 0 : i32
    %scan3A_87 = arith.constant 25 : i32
    %scan3A_88 = arith.addi %scan3A_86, %scan3A_87 : i32
    %scan3A_89 = arith.constant 1 : i32
    scf.for %scan3A_109 = %scan3A_86 to %scan3A_88 step %scan3A_89  : i32 {
      %mul3A_110 = arith.constant 8 : i32
      %mul3A_111 = arith.muli %scan3A_109, %mul3A_110 : i32
      %add3A_112 = arith.constant 0 : i32
      %add3A_113 = arith.addi %mul3A_111, %add3A_112 : i32
      %dma_wait3A_114 = arith.constant 0 : i32
      %dma_wait3A_115 = arith.constant 0 : i32
      %dma_wait3A_116 = arith.constant 0 : i32
      %dma_wait3A_117 = arith.constant 0 : i32
      %dma_wait3A_118 = tpu.memref_slice %arg6[%dma_wait3A_115, %dma_wait3A_116, %dma_wait3A_117] : memref<8x128x64xf32, #tpu.memory_space<vmem>> -> memref<1x128x64xf32, #tpu.memory_space<vmem>>
      %dma_wait3A_119 = tpu.memref_squeeze %dma_wait3A_118 : memref<1x128x64xf32, #tpu.memory_space<vmem>> -> memref<128x64xf32, #tpu.memory_space<vmem>>
      %dma_wait3A_120 = arith.constant 0 : i32
      %dma_wait3A_121 = tpu.memref_slice %arg5[%dma_wait3A_114, %dma_wait3A_120] : memref<200x128xi32, #tpu.memory_space<vmem>> -> memref<1x128xi32, #tpu.memory_space<vmem>>
      %dma_wait3A_122 = tpu.memref_squeeze %dma_wait3A_121 : memref<1x128xi32, #tpu.memory_space<vmem>> -> memref<128xi32, #tpu.memory_space<vmem>>
      %dma_wait3A_123 = arith.constant 0 : i32
      %dma_wait3A_124 = arith.constant 0 : i32
      %dma_wait3A_125 = tpu.memref_slice %arg2[%dma_wait3A_123, %dma_wait3A_124] : memref<1000000x64xf32, #tpu.memory_space<hbm>> -> memref<1000000x64xf32, #tpu.memory_space<hbm>>
      tpu.wait_indirect_dma semaphore(%arg7 : memref<!tpu.dma_semaphore, #tpu.memory_space<semaphore_mem>>) src(%dma_wait3A_125 : memref<1000000x64xf32, #tpu.memory_space<hbm>>) dst(%dma_wait3A_119 : memref<128x64xf32, #tpu.memory_space<vmem>>)
      %mul3A_126 = arith.constant 128 : i32
      %mul3A_127 = arith.muli %add3A_113, %mul3A_126 : i32
      %add3A_128 = arith.addi %mul3A_2, %mul3A_127 : i32
      %jit3A = arith.constant 4096 : i32
      %div3A = arith.divsi %add3A_128, %jit3A : i32
      %sign3A = arith.constant 0 : i32
      %sign3A_129 = arith.cmpi sgt, %add3A_128, %sign3A : i32
      %sign3A_130 = arith.extui %sign3A_129 : i1 to i32
      %sign3A_131 = arith.constant 0 : i32
      %sign3A_132 = arith.cmpi slt, %add3A_128, %sign3A_131 : i32
      %sign3A_133 = arith.extui %sign3A_132 : i1 to i32
      %sign3A_134 = arith.subi %sign3A_130, %sign3A_133 : i32
      %sign3A_135 = arith.constant 0 : i32
      %sign3A_136 = arith.cmpi sgt, %jit3A, %sign3A_135 : i32
      %sign3A_137 = arith.extui %sign3A_136 : i1 to i32
      %sign3A_138 = arith.constant 0 : i32
      %sign3A_139 = arith.cmpi slt, %jit3A, %sign3A_138 : i32
      %sign3A_140 = arith.extui %sign3A_139 : i1 to i32
      %sign3A_141 = arith.subi %sign3A_137, %sign3A_140 : i32
      %ne3A = arith.cmpi ne, %sign3A_134, %sign3A_141 : i32
      %rem3A = arith.remsi %add3A_128, %jit3A : i32
      %ne3A_142 = arith.constant 0 : i32
      %ne3A_143 = arith.cmpi ne, %rem3A, %ne3A_142 : i32
      %and3A = arith.andi %ne3A, %ne3A_143 : i1
      %sub3A = arith.constant 1 : i32
      %sub3A_144 = arith.subi %div3A, %sub3A : i32
      %select_n3A = arith.select %and3A, %sub3A_144, %div3A : i32
      %mul3A_145 = arith.constant 4096 : i32
      %mul3A_146 = arith.muli %select_n3A, %mul3A_145 : i32
      %sub3A_147 = arith.subi %add3A_128, %mul3A_146 : i32
      %dma_start3A_148 = arith.constant 0 : i32
      %dma_start3A_149 = arith.constant 0 : i32
      %dma_start3A_150 = arith.constant 0 : i32
      %dma_start3A_151 = arith.constant 0 : i32
      %dma_start3A_152 = tpu.memref_slice %arg6[%dma_start3A_148, %dma_start3A_150, %dma_start3A_151] : memref<8x128x64xf32, #tpu.memory_space<vmem>> -> memref<1x128x64xf32, #tpu.memory_space<vmem>>
      %dma_start3A_153 = tpu.memref_squeeze %dma_start3A_152 : memref<1x128x64xf32, #tpu.memory_space<vmem>> -> memref<128x64xf32, #tpu.memory_space<vmem>>
      %dma_start3A_154 = arith.constant 0 : i32
      %dma_start3A_155 = tpu.memref_slice %arg4[%select_n3A, %sub3A_147, %dma_start3A_149, %dma_start3A_154] : memref<200x4096x1x64xf32, #tpu.memory_space<hbm>> -> memref<1x128x1x64xf32, #tpu.memory_space<hbm>>
      %dma_start3A_156 = tpu.memref_squeeze %dma_start3A_155 : memref<1x128x1x64xf32, #tpu.memory_space<hbm>> -> memref<128x64xf32, #tpu.memory_space<hbm>>
      %dma_start3A_157 = arith.constant 0 : i32
      %dma_start3A_158 = tpu.memref_slice %arg4[%select_n3A, %sub3A_147, %dma_start3A_149, %dma_start3A_157] : memref<200x4096x1x64xf32, #tpu.memory_space<hbm>> -> memref<1x128x1x64xf32, #tpu.memory_space<hbm>>
      %dma_start3A_159 = tpu.memref_squeeze %dma_start3A_158 : memref<1x128x1x64xf32, #tpu.memory_space<hbm>> -> memref<128x64xf32, #tpu.memory_space<hbm>>
      %dma_start3A_160 = arith.constant 0 : i32
      %dma_start3A_161 = arith.constant 0 : i32
      %dma_start3A_162 = tpu.memref_slice %arg6[%dma_start3A_148, %dma_start3A_160, %dma_start3A_161] : memref<8x128x64xf32, #tpu.memory_space<vmem>> -> memref<1x128x64xf32, #tpu.memory_space<vmem>>
      %dma_start3A_163 = tpu.memref_squeeze %dma_start3A_162 : memref<1x128x64xf32, #tpu.memory_space<vmem>> -> memref<128x64xf32, #tpu.memory_space<vmem>>
      tpu.enqueue_dma source(%dma_start3A_163 : memref<128x64xf32, #tpu.memory_space<vmem>>) target(%dma_start3A_159 : memref<128x64xf32, #tpu.memory_space<hbm>>) target_semaphore(%arg15 : memref<!tpu.dma_semaphore, #tpu.memory_space<semaphore_mem>>)
      %ge3A = arith.constant 1 : i32
      %ge3A_164 = arith.cmpi sge, %scan3A_109, %ge3A : i32
      %convert_element_type3A = arith.extui %ge3A_164 : i1 to i32
      %cond3A = arith.constant 0 : i32
      %cond3A_165 = arith.cmpi ne, %convert_element_type3A, %cond3A : i32
      scf.if %cond3A_165 {
        %dma_wait3A_810 = arith.constant 7 : i32
        %dma_wait3A_811 = arith.constant 0 : i32
        %dma_wait3A_812 = arith.constant 0 : i32
        %dma_wait3A_813 = arith.constant 0 : i32
        %dma_wait3A_814 = arith.constant 0 : i32
        %dma_wait3A_815 = tpu.memref_slice %arg6[%dma_wait3A_810, %dma_wait3A_813, %dma_wait3A_814] : memref<8x128x64xf32, #tpu.memory_space<vmem>> -> memref<1x128x64xf32, #tpu.memory_space<vmem>>
        %dma_wait3A_816 = tpu.memref_squeeze %dma_wait3A_815 : memref<1x128x64xf32, #tpu.memory_space<vmem>> -> memref<128x64xf32, #tpu.memory_space<vmem>>
        %dma_wait3A_817 = arith.constant 0 : i32
        %dma_wait3A_818 = arith.constant 0 : i32
        %dma_wait3A_819 = tpu.memref_slice %arg4[%dma_wait3A_811, %dma_wait3A_817, %dma_wait3A_812, %dma_wait3A_818] : memref<200x4096x1x64xf32, #tpu.memory_space<hbm>> -> memref<1x128x1x64xf32, #tpu.memory_space<hbm>>
        %dma_wait3A_820 = tpu.memref_squeeze %dma_wait3A_819 : memref<1x128x1x64xf32, #tpu.memory_space<hbm>> -> memref<128x64xf32, #tpu.memory_space<hbm>>
        %dma_wait3A_821 = arith.constant 0 : i32
        %dma_wait3A_822 = arith.constant 0 : i32
        %dma_wait3A_823 = tpu.memref_slice %arg4[%dma_wait3A_811, %dma_wait3A_821, %dma_wait3A_812, %dma_wait3A_822] : memref<200x4096x1x64xf32, #tpu.memory_space<hbm>> -> memref<1x128x1x64xf32, #tpu.memory_space<hbm>>
        %dma_wait3A_824 = tpu.memref_squeeze %dma_wait3A_823 : memref<1x128x1x64xf32, #tpu.memory_space<hbm>> -> memref<128x64xf32, #tpu.memory_space<hbm>>
        %dma_wait3A_825 = arith.constant 0 : i32
        %dma_wait3A_826 = arith.constant 0 : i32
        %dma_wait3A_827 = tpu.memref_slice %arg6[%dma_wait3A_810, %dma_wait3A_825, %dma_wait3A_826] : memref<8x128x64xf32, #tpu.memory_space<vmem>> -> memref<1x128x64xf32, #tpu.memory_space<vmem>>
        %dma_wait3A_828 = tpu.memref_squeeze %dma_wait3A_827 : memref<1x128x64xf32, #tpu.memory_space<vmem>> -> memref<128x64xf32, #tpu.memory_space<vmem>>
        tpu.wait_dma2 semaphore(%arg22 : memref<!tpu.dma_semaphore, #tpu.memory_space<semaphore_mem>>) src(%dma_wait3A_828 : memref<128x64xf32, #tpu.memory_space<vmem>>) dst(%dma_wait3A_824 : memref<128x64xf32, #tpu.memory_space<hbm>>)
      } else {
      }
      %add3A_166 = arith.constant 8 : i32
      %add3A_167 = arith.addi %add3A_113, %add3A_166 : i32
      %sub3A_168 = arith.constant 1 : i32
      %sub3A_169 = arith.subi %add3A_167, %sub3A_168 : i32
      %dma_start3A_170 = arith.constant 7 : i32
      %dma_start3A_171 = arith.constant 0 : i32
      %dma_start3A_172 = arith.constant 0 : i32
      %dma_start3A_173 = tpu.memref_slice %arg6[%dma_start3A_170, %dma_start3A_171, %dma_start3A_172] : memref<8x128x64xf32, #tpu.memory_space<vmem>> -> memref<1x128x64xf32, #tpu.memory_space<vmem>>
      %dma_start3A_174 = tpu.memref_squeeze %dma_start3A_173 : memref<1x128x64xf32, #tpu.memory_space<vmem>> -> memref<128x64xf32, #tpu.memory_space<vmem>>
      %dma_start3A_175 = arith.constant 0 : i32
      %dma_start3A_176 = tpu.memref_slice %arg5[%sub3A_169, %dma_start3A_175] : memref<200x128xi32, #tpu.memory_space<vmem>> -> memref<1x128xi32, #tpu.memory_space<vmem>>
      %dma_start3A_177 = tpu.memref_squeeze %dma_start3A_176 : memref<1x128xi32, #tpu.memory_space<vmem>> -> memref<128xi32, #tpu.memory_space<vmem>>
      %dma_start3A_178 = arith.constant 0 : i32
      %dma_start3A_179 = arith.constant 0 : i32
      %dma_start3A_180 = tpu.memref_slice %arg2[%dma_start3A_178, %dma_start3A_179] : memref<1000000x64xf32, #tpu.memory_space<hbm>> -> memref<1000000x64xf32, #tpu.memory_space<hbm>>
      tpu.enqueue_indirect_dma source(%dma_start3A_180 : memref<1000000x64xf32, #tpu.memory_space<hbm>>) target(%dma_start3A_174 : memref<128x64xf32, #tpu.memory_space<vmem>>) offsets(%dma_start3A_177 : memref<128xi32, #tpu.memory_space<vmem>>) semaphore(%arg14 : memref<!tpu.dma_semaphore, #tpu.memory_space<semaphore_mem>>)
      %mul3A_181 = arith.constant 8 : i32
      %mul3A_182 = arith.muli %scan3A_109, %mul3A_181 : i32
      %add3A_183 = arith.constant 1 : i32
      %add3A_184 = arith.addi %mul3A_182, %add3A_183 : i32
      %dma_wait3A_185 = arith.constant 0 : i32
      %dma_wait3A_186 = arith.constant 1 : i32
      %dma_wait3A_187 = arith.constant 0 : i32
      %dma_wait3A_188 = arith.constant 0 : i32
      %dma_wait3A_189 = tpu.memref_slice %arg6[%dma_wait3A_186, %dma_wait3A_187, %dma_wait3A_188] : memref<8x128x64xf32, #tpu.memory_space<vmem>> -> memref<1x128x64xf32, #tpu.memory_space<vmem>>
      %dma_wait3A_190 = tpu.memref_squeeze %dma_wait3A_189 : memref<1x128x64xf32, #tpu.memory_space<vmem>> -> memref<128x64xf32, #tpu.memory_space<vmem>>
      %dma_wait3A_191 = arith.constant 0 : i32
      %dma_wait3A_192 = tpu.memref_slice %arg5[%dma_wait3A_185, %dma_wait3A_191] : memref<200x128xi32, #tpu.memory_space<vmem>> -> memref<1x128xi32, #tpu.memory_space<vmem>>
      %dma_wait3A_193 = tpu.memref_squeeze %dma_wait3A_192 : memref<1x128xi32, #tpu.memory_space<vmem>> -> memref<128xi32, #tpu.memory_space<vmem>>
      %dma_wait3A_194 = arith.constant 0 : i32
      %dma_wait3A_195 = arith.constant 0 : i32
      %dma_wait3A_196 = tpu.memref_slice %arg2[%dma_wait3A_194, %dma_wait3A_195] : memref<1000000x64xf32, #tpu.memory_space<hbm>> -> memref<1000000x64xf32, #tpu.memory_space<hbm>>
      tpu.wait_indirect_dma semaphore(%arg8 : memref<!tpu.dma_semaphore, #tpu.memory_space<semaphore_mem>>) src(%dma_wait3A_196 : memref<1000000x64xf32, #tpu.memory_space<hbm>>) dst(%dma_wait3A_190 : memref<128x64xf32, #tpu.memory_space<vmem>>)
      %mul3A_197 = arith.constant 128 : i32
      %mul3A_198 = arith.muli %add3A_184, %mul3A_197 : i32
      %add3A_199 = arith.addi %mul3A_2, %mul3A_198 : i32
      %jit3A_200 = arith.constant 4096 : i32
      %div3A_201 = arith.divsi %add3A_199, %jit3A_200 : i32
      %sign3A_202 = arith.constant 0 : i32
      %sign3A_203 = arith.cmpi sgt, %add3A_199, %sign3A_202 : i32
      %sign3A_204 = arith.extui %sign3A_203 : i1 to i32
      %sign3A_205 = arith.constant 0 : i32
      %sign3A_206 = arith.cmpi slt, %add3A_199, %sign3A_205 : i32
      %sign3A_207 = arith.extui %sign3A_206 : i1 to i32
      %sign3A_208 = arith.subi %sign3A_204, %sign3A_207 : i32
      %sign3A_209 = arith.constant 0 : i32
      %sign3A_210 = arith.cmpi sgt, %jit3A_200, %sign3A_209 : i32
      %sign3A_211 = arith.extui %sign3A_210 : i1 to i32
      %sign3A_212 = arith.constant 0 : i32
      %sign3A_213 = arith.cmpi slt, %jit3A_200, %sign3A_212 : i32
      %sign3A_214 = arith.extui %sign3A_213 : i1 to i32
      %sign3A_215 = arith.subi %sign3A_211, %sign3A_214 : i32
      %ne3A_216 = arith.cmpi ne, %sign3A_208, %sign3A_215 : i32
      %rem3A_217 = arith.remsi %add3A_199, %jit3A_200 : i32
      %ne3A_218 = arith.constant 0 : i32
      %ne3A_219 = arith.cmpi ne, %rem3A_217, %ne3A_218 : i32
      %and3A_220 = arith.andi %ne3A_216, %ne3A_219 : i1
      %sub3A_221 = arith.constant 1 : i32
      %sub3A_222 = arith.subi %div3A_201, %sub3A_221 : i32
      %select_n3A_223 = arith.select %and3A_220, %sub3A_222, %div3A_201 : i32
      %mul3A_224 = arith.constant 4096 : i32
      %mul3A_225 = arith.muli %select_n3A_223, %mul3A_224 : i32
      %sub3A_226 = arith.subi %add3A_199, %mul3A_225 : i32
      %dma_start3A_227 = arith.constant 1 : i32
      %dma_start3A_228 = arith.constant 0 : i32
      %dma_start3A_229 = arith.constant 0 : i32
      %dma_start3A_230 = arith.constant 0 : i32
      %dma_start3A_231 = tpu.memref_slice %arg6[%dma_start3A_227, %dma_start3A_229, %dma_start3A_230] : memref<8x128x64xf32, #tpu.memory_space<vmem>> -> memref<1x128x64xf32, #tpu.memory_space<vmem>>
      %dma_start3A_232 = tpu.memref_squeeze %dma_start3A_231 : memref<1x128x64xf32, #tpu.memory_space<vmem>> -> memref<128x64xf32, #tpu.memory_space<vmem>>
      %dma_start3A_233 = arith.constant 0 : i32
      %dma_start3A_234 = tpu.memref_slice %arg4[%select_n3A_223, %sub3A_226, %dma_start3A_228, %dma_start3A_233] : memref<200x4096x1x64xf32, #tpu.memory_space<hbm>> -> memref<1x128x1x64xf32, #tpu.memory_space<hbm>>
      %dma_start3A_235 = tpu.memref_squeeze %dma_start3A_234 : memref<1x128x1x64xf32, #tpu.memory_space<hbm>> -> memref<128x64xf32, #tpu.memory_space<hbm>>
      %dma_start3A_236 = arith.constant 0 : i32
      %dma_start3A_237 = tpu.memref_slice %arg4[%select_n3A_223, %sub3A_226, %dma_start3A_228, %dma_start3A_236] : memref<200x4096x1x64xf32, #tpu.memory_space<hbm>> -> memref<1x128x1x64xf32, #tpu.memory_space<hbm>>
      %dma_start3A_238 = tpu.memref_squeeze %dma_start3A_237 : memref<1x128x1x64xf32, #tpu.memory_space<hbm>> -> memref<128x64xf32, #tpu.memory_space<hbm>>
      %dma_start3A_239 = arith.constant 0 : i32
      %dma_start3A_240 = arith.constant 0 : i32
      %dma_start3A_241 = tpu.memref_slice %arg6[%dma_start3A_227, %dma_start3A_239, %dma_start3A_240] : memref<8x128x64xf32, #tpu.memory_space<vmem>> -> memref<1x128x64xf32, #tpu.memory_space<vmem>>
      %dma_start3A_242 = tpu.memref_squeeze %dma_start3A_241 : memref<1x128x64xf32, #tpu.memory_space<vmem>> -> memref<128x64xf32, #tpu.memory_space<vmem>>
      tpu.enqueue_dma source(%dma_start3A_242 : memref<128x64xf32, #tpu.memory_space<vmem>>) target(%dma_start3A_238 : memref<128x64xf32, #tpu.memory_space<hbm>>) target_semaphore(%arg16 : memref<!tpu.dma_semaphore, #tpu.memory_space<semaphore_mem>>)
      %dma_wait3A_243 = arith.constant 0 : i32
      %dma_wait3A_244 = arith.constant 0 : i32
      %dma_wait3A_245 = arith.constant 0 : i32
      %dma_wait3A_246 = arith.constant 0 : i32
      %dma_wait3A_247 = arith.constant 0 : i32
      %dma_wait3A_248 = tpu.memref_slice %arg6[%dma_wait3A_243, %dma_wait3A_246, %dma_wait3A_247] : memref<8x128x64xf32, #tpu.memory_space<vmem>> -> memref<1x128x64xf32, #tpu.memory_space<vmem>>
      %dma_wait3A_249 = tpu.memref_squeeze %dma_wait3A_248 : memref<1x128x64xf32, #tpu.memory_space<vmem>> -> memref<128x64xf32, #tpu.memory_space<vmem>>
      %dma_wait3A_250 = arith.constant 0 : i32
      %dma_wait3A_251 = arith.constant 0 : i32
      %dma_wait3A_252 = tpu.memref_slice %arg4[%dma_wait3A_244, %dma_wait3A_250, %dma_wait3A_245, %dma_wait3A_251] : memref<200x4096x1x64xf32, #tpu.memory_space<hbm>> -> memref<1x128x1x64xf32, #tpu.memory_space<hbm>>
      %dma_wait3A_253 = tpu.memref_squeeze %dma_wait3A_252 : memref<1x128x1x64xf32, #tpu.memory_space<hbm>> -> memref<128x64xf32, #tpu.memory_space<hbm>>
      %dma_wait3A_254 = arith.constant 0 : i32
      %dma_wait3A_255 = arith.constant 0 : i32
      %dma_wait3A_256 = tpu.memref_slice %arg4[%dma_wait3A_244, %dma_wait3A_254, %dma_wait3A_245, %dma_wait3A_255] : memref<200x4096x1x64xf32, #tpu.memory_space<hbm>> -> memref<1x128x1x64xf32, #tpu.memory_space<hbm>>
      %dma_wait3A_257 = tpu.memref_squeeze %dma_wait3A_256 : memref<1x128x1x64xf32, #tpu.memory_space<hbm>> -> memref<128x64xf32, #tpu.memory_space<hbm>>
      %dma_wait3A_258 = arith.constant 0 : i32
      %dma_wait3A_259 = arith.constant 0 : i32
      %dma_wait3A_260 = tpu.memref_slice %arg6[%dma_wait3A_243, %dma_wait3A_258, %dma_wait3A_259] : memref<8x128x64xf32, #tpu.memory_space<vmem>> -> memref<1x128x64xf32, #tpu.memory_space<vmem>>
      %dma_wait3A_261 = tpu.memref_squeeze %dma_wait3A_260 : memref<1x128x64xf32, #tpu.memory_space<vmem>> -> memref<128x64xf32, #tpu.memory_space<vmem>>
      tpu.wait_dma2 semaphore(%arg15 : memref<!tpu.dma_semaphore, #tpu.memory_space<semaphore_mem>>) src(%dma_wait3A_261 : memref<128x64xf32, #tpu.memory_space<vmem>>) dst(%dma_wait3A_257 : memref<128x64xf32, #tpu.memory_space<hbm>>)
      %add3A_262 = arith.constant 8 : i32
      %add3A_263 = arith.addi %add3A_184, %add3A_262 : i32
      %sub3A_264 = arith.constant 1 : i32
      %sub3A_265 = arith.subi %add3A_263, %sub3A_264 : i32
      %lt3A = arith.constant 200 : i32
      %lt3A_266 = arith.cmpi slt, %sub3A_265, %lt3A : i32
      %convert_element_type3A_267 = arith.extui %lt3A_266 : i1 to i32
      %cond3A_268 = arith.constant 0 : i32
      %cond3A_269 = arith.cmpi ne, %convert_element_type3A_267, %cond3A_268 : i32
      scf.if %cond3A_269 {
        %add3A_810 = arith.constant 8 : i32
        %add3A_811 = arith.addi %add3A_184, %add3A_810 : i32
        %sub3A_812 = arith.constant 1 : i32
        %sub3A_813 = arith.subi %add3A_811, %sub3A_812 : i32
        %dma_start3A_814 = arith.constant 0 : i32
        %dma_start3A_815 = arith.constant 0 : i32
        %dma_start3A_816 = arith.constant 0 : i32
        %dma_start3A_817 = tpu.memref_slice %arg6[%dma_start3A_814, %dma_start3A_815, %dma_start3A_816] : memref<8x128x64xf32, #tpu.memory_space<vmem>> -> memref<1x128x64xf32, #tpu.memory_space<vmem>>
        %dma_start3A_818 = tpu.memref_squeeze %dma_start3A_817 : memref<1x128x64xf32, #tpu.memory_space<vmem>> -> memref<128x64xf32, #tpu.memory_space<vmem>>
        %dma_start3A_819 = arith.constant 0 : i32
        %dma_start3A_820 = tpu.memref_slice %arg5[%sub3A_813, %dma_start3A_819] : memref<200x128xi32, #tpu.memory_space<vmem>> -> memref<1x128xi32, #tpu.memory_space<vmem>>
        %dma_start3A_821 = tpu.memref_squeeze %dma_start3A_820 : memref<1x128xi32, #tpu.memory_space<vmem>> -> memref<128xi32, #tpu.memory_space<vmem>>
        %dma_start3A_822 = arith.constant 0 : i32
        %dma_start3A_823 = arith.constant 0 : i32
        %dma_start3A_824 = tpu.memref_slice %arg2[%dma_start3A_822, %dma_start3A_823] : memref<1000000x64xf32, #tpu.memory_space<hbm>> -> memref<1000000x64xf32, #tpu.memory_space<hbm>>
        tpu.enqueue_indirect_dma source(%dma_start3A_824 : memref<1000000x64xf32, #tpu.memory_space<hbm>>) target(%dma_start3A_818 : memref<128x64xf32, #tpu.memory_space<vmem>>) offsets(%dma_start3A_821 : memref<128xi32, #tpu.memory_space<vmem>>) semaphore(%arg7 : memref<!tpu.dma_semaphore, #tpu.memory_space<semaphore_mem>>)
      } else {
      }
      %mul3A_270 = arith.constant 8 : i32
      %mul3A_271 = arith.muli %scan3A_109, %mul3A_270 : i32
      %add3A_272 = arith.constant 2 : i32
      %add3A_273 = arith.addi %mul3A_271, %add3A_272 : i32
      %dma_wait3A_274 = arith.constant 0 : i32
      %dma_wait3A_275 = arith.constant 2 : i32
      %dma_wait3A_276 = arith.constant 0 : i32
      %dma_wait3A_277 = arith.constant 0 : i32
      %dma_wait3A_278 = tpu.memref_slice %arg6[%dma_wait3A_275, %dma_wait3A_276, %dma_wait3A_277] : memref<8x128x64xf32, #tpu.memory_space<vmem>> -> memref<1x128x64xf32, #tpu.memory_space<vmem>>
      %dma_wait3A_279 = tpu.memref_squeeze %dma_wait3A_278 : memref<1x128x64xf32, #tpu.memory_space<vmem>> -> memref<128x64xf32, #tpu.memory_space<vmem>>
      %dma_wait3A_280 = arith.constant 0 : i32
      %dma_wait3A_281 = tpu.memref_slice %arg5[%dma_wait3A_274, %dma_wait3A_280] : memref<200x128xi32, #tpu.memory_space<vmem>> -> memref<1x128xi32, #tpu.memory_space<vmem>>
      %dma_wait3A_282 = tpu.memref_squeeze %dma_wait3A_281 : memref<1x128xi32, #tpu.memory_space<vmem>> -> memref<128xi32, #tpu.memory_space<vmem>>
      %dma_wait3A_283 = arith.constant 0 : i32
      %dma_wait3A_284 = arith.constant 0 : i32
      %dma_wait3A_285 = tpu.memref_slice %arg2[%dma_wait3A_283, %dma_wait3A_284] : memref<1000000x64xf32, #tpu.memory_space<hbm>> -> memref<1000000x64xf32, #tpu.memory_space<hbm>>
      tpu.wait_indirect_dma semaphore(%arg9 : memref<!tpu.dma_semaphore, #tpu.memory_space<semaphore_mem>>) src(%dma_wait3A_285 : memref<1000000x64xf32, #tpu.memory_space<hbm>>) dst(%dma_wait3A_279 : memref<128x64xf32, #tpu.memory_space<vmem>>)
      %mul3A_286 = arith.constant 128 : i32
      %mul3A_287 = arith.muli %add3A_273, %mul3A_286 : i32
      %add3A_288 = arith.addi %mul3A_2, %mul3A_287 : i32
      %jit3A_289 = arith.constant 4096 : i32
      %div3A_290 = arith.divsi %add3A_288, %jit3A_289 : i32
      %sign3A_291 = arith.constant 0 : i32
      %sign3A_292 = arith.cmpi sgt, %add3A_288, %sign3A_291 : i32
      %sign3A_293 = arith.extui %sign3A_292 : i1 to i32
      %sign3A_294 = arith.constant 0 : i32
      %sign3A_295 = arith.cmpi slt, %add3A_288, %sign3A_294 : i32
      %sign3A_296 = arith.extui %sign3A_295 : i1 to i32
      %sign3A_297 = arith.subi %sign3A_293, %sign3A_296 : i32
      %sign3A_298 = arith.constant 0 : i32
      %sign3A_299 = arith.cmpi sgt, %jit3A_289, %sign3A_298 : i32
      %sign3A_300 = arith.extui %sign3A_299 : i1 to i32
      %sign3A_301 = arith.constant 0 : i32
      %sign3A_302 = arith.cmpi slt, %jit3A_289, %sign3A_301 : i32
      %sign3A_303 = arith.extui %sign3A_302 : i1 to i32
      %sign3A_304 = arith.subi %sign3A_300, %sign3A_303 : i32
      %ne3A_305 = arith.cmpi ne, %sign3A_297, %sign3A_304 : i32
      %rem3A_306 = arith.remsi %add3A_288, %jit3A_289 : i32
      %ne3A_307 = arith.constant 0 : i32
      %ne3A_308 = arith.cmpi ne, %rem3A_306, %ne3A_307 : i32
      %and3A_309 = arith.andi %ne3A_305, %ne3A_308 : i1
      %sub3A_310 = arith.constant 1 : i32
      %sub3A_311 = arith.subi %div3A_290, %sub3A_310 : i32
      %select_n3A_312 = arith.select %and3A_309, %sub3A_311, %div3A_290 : i32
      %mul3A_313 = arith.constant 4096 : i32
      %mul3A_314 = arith.muli %select_n3A_312, %mul3A_313 : i32
      %sub3A_315 = arith.subi %add3A_288, %mul3A_314 : i32
      %dma_start3A_316 = arith.constant 2 : i32
      %dma_start3A_317 = arith.constant 0 : i32
      %dma_start3A_318 = arith.constant 0 : i32
      %dma_start3A_319 = arith.constant 0 : i32
      %dma_start3A_320 = tpu.memref_slice %arg6[%dma_start3A_316, %dma_start3A_318, %dma_start3A_319] : memref<8x128x64xf32, #tpu.memory_space<vmem>> -> memref<1x128x64xf32, #tpu.memory_space<vmem>>
      %dma_start3A_321 = tpu.memref_squeeze %dma_start3A_320 : memref<1x128x64xf32, #tpu.memory_space<vmem>> -> memref<128x64xf32, #tpu.memory_space<vmem>>
      %dma_start3A_322 = arith.constant 0 : i32
      %dma_start3A_323 = tpu.memref_slice %arg4[%select_n3A_312, %sub3A_315, %dma_start3A_317, %dma_start3A_322] : memref<200x4096x1x64xf32, #tpu.memory_space<hbm>> -> memref<1x128x1x64xf32, #tpu.memory_space<hbm>>
      %dma_start3A_324 = tpu.memref_squeeze %dma_start3A_323 : memref<1x128x1x64xf32, #tpu.memory_space<hbm>> -> memref<128x64xf32, #tpu.memory_space<hbm>>
      %dma_start3A_325 = arith.constant 0 : i32
      %dma_start3A_326 = tpu.memref_slice %arg4[%select_n3A_312, %sub3A_315, %dma_start3A_317, %dma_start3A_325] : memref<200x4096x1x64xf32, #tpu.memory_space<hbm>> -> memref<1x128x1x64xf32, #tpu.memory_space<hbm>>
      %dma_start3A_327 = tpu.memref_squeeze %dma_start3A_326 : memref<1x128x1x64xf32, #tpu.memory_space<hbm>> -> memref<128x64xf32, #tpu.memory_space<hbm>>
      %dma_start3A_328 = arith.constant 0 : i32
      %dma_start3A_329 = arith.constant 0 : i32
      %dma_start3A_330 = tpu.memref_slice %arg6[%dma_start3A_316, %dma_start3A_328, %dma_start3A_329] : memref<8x128x64xf32, #tpu.memory_space<vmem>> -> memref<1x128x64xf32, #tpu.memory_space<vmem>>
      %dma_start3A_331 = tpu.memref_squeeze %dma_start3A_330 : memref<1x128x64xf32, #tpu.memory_space<vmem>> -> memref<128x64xf32, #tpu.memory_space<vmem>>
      tpu.enqueue_dma source(%dma_start3A_331 : memref<128x64xf32, #tpu.memory_space<vmem>>) target(%dma_start3A_327 : memref<128x64xf32, #tpu.memory_space<hbm>>) target_semaphore(%arg17 : memref<!tpu.dma_semaphore, #tpu.memory_space<semaphore_mem>>)
      %dma_wait3A_332 = arith.constant 1 : i32
      %dma_wait3A_333 = arith.constant 0 : i32
      %dma_wait3A_334 = arith.constant 0 : i32
      %dma_wait3A_335 = arith.constant 0 : i32
      %dma_wait3A_336 = arith.constant 0 : i32
      %dma_wait3A_337 = tpu.memref_slice %arg6[%dma_wait3A_332, %dma_wait3A_335, %dma_wait3A_336] : memref<8x128x64xf32, #tpu.memory_space<vmem>> -> memref<1x128x64xf32, #tpu.memory_space<vmem>>
      %dma_wait3A_338 = tpu.memref_squeeze %dma_wait3A_337 : memref<1x128x64xf32, #tpu.memory_space<vmem>> -> memref<128x64xf32, #tpu.memory_space<vmem>>
      %dma_wait3A_339 = arith.constant 0 : i32
      %dma_wait3A_340 = arith.constant 0 : i32
      %dma_wait3A_341 = tpu.memref_slice %arg4[%dma_wait3A_333, %dma_wait3A_339, %dma_wait3A_334, %dma_wait3A_340] : memref<200x4096x1x64xf32, #tpu.memory_space<hbm>> -> memref<1x128x1x64xf32, #tpu.memory_space<hbm>>
      %dma_wait3A_342 = tpu.memref_squeeze %dma_wait3A_341 : memref<1x128x1x64xf32, #tpu.memory_space<hbm>> -> memref<128x64xf32, #tpu.memory_space<hbm>>
      %dma_wait3A_343 = arith.constant 0 : i32
      %dma_wait3A_344 = arith.constant 0 : i32
      %dma_wait3A_345 = tpu.memref_slice %arg4[%dma_wait3A_333, %dma_wait3A_343, %dma_wait3A_334, %dma_wait3A_344] : memref<200x4096x1x64xf32, #tpu.memory_space<hbm>> -> memref<1x128x1x64xf32, #tpu.memory_space<hbm>>
      %dma_wait3A_346 = tpu.memref_squeeze %dma_wait3A_345 : memref<1x128x1x64xf32, #tpu.memory_space<hbm>> -> memref<128x64xf32, #tpu.memory_space<hbm>>
      %dma_wait3A_347 = arith.constant 0 : i32
      %dma_wait3A_348 = arith.constant 0 : i32
      %dma_wait3A_349 = tpu.memref_slice %arg6[%dma_wait3A_332, %dma_wait3A_347, %dma_wait3A_348] : memref<8x128x64xf32, #tpu.memory_space<vmem>> -> memref<1x128x64xf32, #tpu.memory_space<vmem>>
      %dma_wait3A_350 = tpu.memref_squeeze %dma_wait3A_349 : memref<1x128x64xf32, #tpu.memory_space<vmem>> -> memref<128x64xf32, #tpu.memory_space<vmem>>
      tpu.wait_dma2 semaphore(%arg16 : memref<!tpu.dma_semaphore, #tpu.memory_space<semaphore_mem>>) src(%dma_wait3A_350 : memref<128x64xf32, #tpu.memory_space<vmem>>) dst(%dma_wait3A_346 : memref<128x64xf32, #tpu.memory_space<hbm>>)
      %add3A_351 = arith.constant 8 : i32
      %add3A_352 = arith.addi %add3A_273, %add3A_351 : i32
      %sub3A_353 = arith.constant 1 : i32
      %sub3A_354 = arith.subi %add3A_352, %sub3A_353 : i32
      %lt3A_355 = arith.constant 200 : i32
      %lt3A_356 = arith.cmpi slt, %sub3A_354, %lt3A_355 : i32
      %convert_element_type3A_357 = arith.extui %lt3A_356 : i1 to i32
      %cond3A_358 = arith.constant 0 : i32
      %cond3A_359 = arith.cmpi ne, %convert_element_type3A_357, %cond3A_358 : i32
      scf.if %cond3A_359 {
        %add3A_810 = arith.constant 8 : i32
        %add3A_811 = arith.addi %add3A_273, %add3A_810 : i32
        %sub3A_812 = arith.constant 1 : i32
        %sub3A_813 = arith.subi %add3A_811, %sub3A_812 : i32
        %dma_start3A_814 = arith.constant 1 : i32
        %dma_start3A_815 = arith.constant 0 : i32
        %dma_start3A_816 = arith.constant 0 : i32
        %dma_start3A_817 = tpu.memref_slice %arg6[%dma_start3A_814, %dma_start3A_815, %dma_start3A_816] : memref<8x128x64xf32, #tpu.memory_space<vmem>> -> memref<1x128x64xf32, #tpu.memory_space<vmem>>
        %dma_start3A_818 = tpu.memref_squeeze %dma_start3A_817 : memref<1x128x64xf32, #tpu.memory_space<vmem>> -> memref<128x64xf32, #tpu.memory_space<vmem>>
        %dma_start3A_819 = arith.constant 0 : i32
        %dma_start3A_820 = tpu.memref_slice %arg5[%sub3A_813, %dma_start3A_819] : memref<200x128xi32, #tpu.memory_space<vmem>> -> memref<1x128xi32, #tpu.memory_space<vmem>>
        %dma_start3A_821 = tpu.memref_squeeze %dma_start3A_820 : memref<1x128xi32, #tpu.memory_space<vmem>> -> memref<128xi32, #tpu.memory_space<vmem>>
        %dma_start3A_822 = arith.constant 0 : i32
        %dma_start3A_823 = arith.constant 0 : i32
        %dma_start3A_824 = tpu.memref_slice %arg2[%dma_start3A_822, %dma_start3A_823] : memref<1000000x64xf32, #tpu.memory_space<hbm>> -> memref<1000000x64xf32, #tpu.memory_space<hbm>>
        tpu.enqueue_indirect_dma source(%dma_start3A_824 : memref<1000000x64xf32, #tpu.memory_space<hbm>>) target(%dma_start3A_818 : memref<128x64xf32, #tpu.memory_space<vmem>>) offsets(%dma_start3A_821 : memref<128xi32, #tpu.memory_space<vmem>>) semaphore(%arg8 : memref<!tpu.dma_semaphore, #tpu.memory_space<semaphore_mem>>)
      } else {
      }
      %mul3A_360 = arith.constant 8 : i32
      %mul3A_361 = arith.muli %scan3A_109, %mul3A_360 : i32
      %add3A_362 = arith.constant 3 : i32
      %add3A_363 = arith.addi %mul3A_361, %add3A_362 : i32
      %dma_wait3A_364 = arith.constant 0 : i32
      %dma_wait3A_365 = arith.constant 3 : i32
      %dma_wait3A_366 = arith.constant 0 : i32
      %dma_wait3A_367 = arith.constant 0 : i32
      %dma_wait3A_368 = tpu.memref_slice %arg6[%dma_wait3A_365, %dma_wait3A_366, %dma_wait3A_367] : memref<8x128x64xf32, #tpu.memory_space<vmem>> -> memref<1x128x64xf32, #tpu.memory_space<vmem>>
      %dma_wait3A_369 = tpu.memref_squeeze %dma_wait3A_368 : memref<1x128x64xf32, #tpu.memory_space<vmem>> -> memref<128x64xf32, #tpu.memory_space<vmem>>
      %dma_wait3A_370 = arith.constant 0 : i32
      %dma_wait3A_371 = tpu.memref_slice %arg5[%dma_wait3A_364, %dma_wait3A_370] : memref<200x128xi32, #tpu.memory_space<vmem>> -> memref<1x128xi32, #tpu.memory_space<vmem>>
      %dma_wait3A_372 = tpu.memref_squeeze %dma_wait3A_371 : memref<1x128xi32, #tpu.memory_space<vmem>> -> memref<128xi32, #tpu.memory_space<vmem>>
      %dma_wait3A_373 = arith.constant 0 : i32
      %dma_wait3A_374 = arith.constant 0 : i32
      %dma_wait3A_375 = tpu.memref_slice %arg2[%dma_wait3A_373, %dma_wait3A_374] : memref<1000000x64xf32, #tpu.memory_space<hbm>> -> memref<1000000x64xf32, #tpu.memory_space<hbm>>
      tpu.wait_indirect_dma semaphore(%arg10 : memref<!tpu.dma_semaphore, #tpu.memory_space<semaphore_mem>>) src(%dma_wait3A_375 : memref<1000000x64xf32, #tpu.memory_space<hbm>>) dst(%dma_wait3A_369 : memref<128x64xf32, #tpu.memory_space<vmem>>)
      %mul3A_376 = arith.constant 128 : i32
      %mul3A_377 = arith.muli %add3A_363, %mul3A_376 : i32
      %add3A_378 = arith.addi %mul3A_2, %mul3A_377 : i32
      %jit3A_379 = arith.constant 4096 : i32
      %div3A_380 = arith.divsi %add3A_378, %jit3A_379 : i32
      %sign3A_381 = arith.constant 0 : i32
      %sign3A_382 = arith.cmpi sgt, %add3A_378, %sign3A_381 : i32
      %sign3A_383 = arith.extui %sign3A_382 : i1 to i32
      %sign3A_384 = arith.constant 0 : i32
      %sign3A_385 = arith.cmpi slt, %add3A_378, %sign3A_384 : i32
      %sign3A_386 = arith.extui %sign3A_385 : i1 to i32
      %sign3A_387 = arith.subi %sign3A_383, %sign3A_386 : i32
      %sign3A_388 = arith.constant 0 : i32
      %sign3A_389 = arith.cmpi sgt, %jit3A_379, %sign3A_388 : i32
      %sign3A_390 = arith.extui %sign3A_389 : i1 to i32
      %sign3A_391 = arith.constant 0 : i32
      %sign3A_392 = arith.cmpi slt, %jit3A_379, %sign3A_391 : i32
      %sign3A_393 = arith.extui %sign3A_392 : i1 to i32
      %sign3A_394 = arith.subi %sign3A_390, %sign3A_393 : i32
      %ne3A_395 = arith.cmpi ne, %sign3A_387, %sign3A_394 : i32
      %rem3A_396 = arith.remsi %add3A_378, %jit3A_379 : i32
      %ne3A_397 = arith.constant 0 : i32
      %ne3A_398 = arith.cmpi ne, %rem3A_396, %ne3A_397 : i32
      %and3A_399 = arith.andi %ne3A_395, %ne3A_398 : i1
      %sub3A_400 = arith.constant 1 : i32
      %sub3A_401 = arith.subi %div3A_380, %sub3A_400 : i32
      %select_n3A_402 = arith.select %and3A_399, %sub3A_401, %div3A_380 : i32
      %mul3A_403 = arith.constant 4096 : i32
      %mul3A_404 = arith.muli %select_n3A_402, %mul3A_403 : i32
      %sub3A_405 = arith.subi %add3A_378, %mul3A_404 : i32
      %dma_start3A_406 = arith.constant 3 : i32
      %dma_start3A_407 = arith.constant 0 : i32
      %dma_start3A_408 = arith.constant 0 : i32
      %dma_start3A_409 = arith.constant 0 : i32
      %dma_start3A_410 = tpu.memref_slice %arg6[%dma_start3A_406, %dma_start3A_408, %dma_start3A_409] : memref<8x128x64xf32, #tpu.memory_space<vmem>> -> memref<1x128x64xf32, #tpu.memory_space<vmem>>
      %dma_start3A_411 = tpu.memref_squeeze %dma_start3A_410 : memref<1x128x64xf32, #tpu.memory_space<vmem>> -> memref<128x64xf32, #tpu.memory_space<vmem>>
      %dma_start3A_412 = arith.constant 0 : i32
      %dma_start3A_413 = tpu.memref_slice %arg4[%select_n3A_402, %sub3A_405, %dma_start3A_407, %dma_start3A_412] : memref<200x4096x1x64xf32, #tpu.memory_space<hbm>> -> memref<1x128x1x64xf32, #tpu.memory_space<hbm>>
      %dma_start3A_414 = tpu.memref_squeeze %dma_start3A_413 : memref<1x128x1x64xf32, #tpu.memory_space<hbm>> -> memref<128x64xf32, #tpu.memory_space<hbm>>
      %dma_start3A_415 = arith.constant 0 : i32
      %dma_start3A_416 = tpu.memref_slice %arg4[%select_n3A_402, %sub3A_405, %dma_start3A_407, %dma_start3A_415] : memref<200x4096x1x64xf32, #tpu.memory_space<hbm>> -> memref<1x128x1x64xf32, #tpu.memory_space<hbm>>
      %dma_start3A_417 = tpu.memref_squeeze %dma_start3A_416 : memref<1x128x1x64xf32, #tpu.memory_space<hbm>> -> memref<128x64xf32, #tpu.memory_space<hbm>>
      %dma_start3A_418 = arith.constant 0 : i32
      %dma_start3A_419 = arith.constant 0 : i32
      %dma_start3A_420 = tpu.memref_slice %arg6[%dma_start3A_406, %dma_start3A_418, %dma_start3A_419] : memref<8x128x64xf32, #tpu.memory_space<vmem>> -> memref<1x128x64xf32, #tpu.memory_space<vmem>>
      %dma_start3A_421 = tpu.memref_squeeze %dma_start3A_420 : memref<1x128x64xf32, #tpu.memory_space<vmem>> -> memref<128x64xf32, #tpu.memory_space<vmem>>
      tpu.enqueue_dma source(%dma_start3A_421 : memref<128x64xf32, #tpu.memory_space<vmem>>) target(%dma_start3A_417 : memref<128x64xf32, #tpu.memory_space<hbm>>) target_semaphore(%arg18 : memref<!tpu.dma_semaphore, #tpu.memory_space<semaphore_mem>>)
      %dma_wait3A_422 = arith.constant 2 : i32
      %dma_wait3A_423 = arith.constant 0 : i32
      %dma_wait3A_424 = arith.constant 0 : i32
      %dma_wait3A_425 = arith.constant 0 : i32
      %dma_wait3A_426 = arith.constant 0 : i32
      %dma_wait3A_427 = tpu.memref_slice %arg6[%dma_wait3A_422, %dma_wait3A_425, %dma_wait3A_426] : memref<8x128x64xf32, #tpu.memory_space<vmem>> -> memref<1x128x64xf32, #tpu.memory_space<vmem>>
      %dma_wait3A_428 = tpu.memref_squeeze %dma_wait3A_427 : memref<1x128x64xf32, #tpu.memory_space<vmem>> -> memref<128x64xf32, #tpu.memory_space<vmem>>
      %dma_wait3A_429 = arith.constant 0 : i32
      %dma_wait3A_430 = arith.constant 0 : i32
      %dma_wait3A_431 = tpu.memref_slice %arg4[%dma_wait3A_423, %dma_wait3A_429, %dma_wait3A_424, %dma_wait3A_430] : memref<200x4096x1x64xf32, #tpu.memory_space<hbm>> -> memref<1x128x1x64xf32, #tpu.memory_space<hbm>>
      %dma_wait3A_432 = tpu.memref_squeeze %dma_wait3A_431 : memref<1x128x1x64xf32, #tpu.memory_space<hbm>> -> memref<128x64xf32, #tpu.memory_space<hbm>>
      %dma_wait3A_433 = arith.constant 0 : i32
      %dma_wait3A_434 = arith.constant 0 : i32
      %dma_wait3A_435 = tpu.memref_slice %arg4[%dma_wait3A_423, %dma_wait3A_433, %dma_wait3A_424, %dma_wait3A_434] : memref<200x4096x1x64xf32, #tpu.memory_space<hbm>> -> memref<1x128x1x64xf32, #tpu.memory_space<hbm>>
      %dma_wait3A_436 = tpu.memref_squeeze %dma_wait3A_435 : memref<1x128x1x64xf32, #tpu.memory_space<hbm>> -> memref<128x64xf32, #tpu.memory_space<hbm>>
      %dma_wait3A_437 = arith.constant 0 : i32
      %dma_wait3A_438 = arith.constant 0 : i32
      %dma_wait3A_439 = tpu.memref_slice %arg6[%dma_wait3A_422, %dma_wait3A_437, %dma_wait3A_438] : memref<8x128x64xf32, #tpu.memory_space<vmem>> -> memref<1x128x64xf32, #tpu.memory_space<vmem>>
      %dma_wait3A_440 = tpu.memref_squeeze %dma_wait3A_439 : memref<1x128x64xf32, #tpu.memory_space<vmem>> -> memref<128x64xf32, #tpu.memory_space<vmem>>
      tpu.wait_dma2 semaphore(%arg17 : memref<!tpu.dma_semaphore, #tpu.memory_space<semaphore_mem>>) src(%dma_wait3A_440 : memref<128x64xf32, #tpu.memory_space<vmem>>) dst(%dma_wait3A_436 : memref<128x64xf32, #tpu.memory_space<hbm>>)
      %add3A_441 = arith.constant 8 : i32
      %add3A_442 = arith.addi %add3A_363, %add3A_441 : i32
      %sub3A_443 = arith.constant 1 : i32
      %sub3A_444 = arith.subi %add3A_442, %sub3A_443 : i32
      %lt3A_445 = arith.constant 200 : i32
      %lt3A_446 = arith.cmpi slt, %sub3A_444, %lt3A_445 : i32
      %convert_element_type3A_447 = arith.extui %lt3A_446 : i1 to i32
      %cond3A_448 = arith.constant 0 : i32
      %cond3A_449 = arith.cmpi ne, %convert_element_type3A_447, %cond3A_448 : i32
      scf.if %cond3A_449 {
        %add3A_810 = arith.constant 8 : i32
        %add3A_811 = arith.addi %add3A_363, %add3A_810 : i32
        %sub3A_812 = arith.constant 1 : i32
        %sub3A_813 = arith.subi %add3A_811, %sub3A_812 : i32
        %dma_start3A_814 = arith.constant 2 : i32
        %dma_start3A_815 = arith.constant 0 : i32
        %dma_start3A_816 = arith.constant 0 : i32
        %dma_start3A_817 = tpu.memref_slice %arg6[%dma_start3A_814, %dma_start3A_815, %dma_start3A_816] : memref<8x128x64xf32, #tpu.memory_space<vmem>> -> memref<1x128x64xf32, #tpu.memory_space<vmem>>
        %dma_start3A_818 = tpu.memref_squeeze %dma_start3A_817 : memref<1x128x64xf32, #tpu.memory_space<vmem>> -> memref<128x64xf32, #tpu.memory_space<vmem>>
        %dma_start3A_819 = arith.constant 0 : i32
        %dma_start3A_820 = tpu.memref_slice %arg5[%sub3A_813, %dma_start3A_819] : memref<200x128xi32, #tpu.memory_space<vmem>> -> memref<1x128xi32, #tpu.memory_space<vmem>>
        %dma_start3A_821 = tpu.memref_squeeze %dma_start3A_820 : memref<1x128xi32, #tpu.memory_space<vmem>> -> memref<128xi32, #tpu.memory_space<vmem>>
        %dma_start3A_822 = arith.constant 0 : i32
        %dma_start3A_823 = arith.constant 0 : i32
        %dma_start3A_824 = tpu.memref_slice %arg2[%dma_start3A_822, %dma_start3A_823] : memref<1000000x64xf32, #tpu.memory_space<hbm>> -> memref<1000000x64xf32, #tpu.memory_space<hbm>>
        tpu.enqueue_indirect_dma source(%dma_start3A_824 : memref<1000000x64xf32, #tpu.memory_space<hbm>>) target(%dma_start3A_818 : memref<128x64xf32, #tpu.memory_space<vmem>>) offsets(%dma_start3A_821 : memref<128xi32, #tpu.memory_space<vmem>>) semaphore(%arg9 : memref<!tpu.dma_semaphore, #tpu.memory_space<semaphore_mem>>)
      } else {
      }
      %mul3A_450 = arith.constant 8 : i32
      %mul3A_451 = arith.muli %scan3A_109, %mul3A_450 : i32
      %add3A_452 = arith.constant 4 : i32
      %add3A_453 = arith.addi %mul3A_451, %add3A_452 : i32
      %dma_wait3A_454 = arith.constant 0 : i32
      %dma_wait3A_455 = arith.constant 4 : i32
      %dma_wait3A_456 = arith.constant 0 : i32
      %dma_wait3A_457 = arith.constant 0 : i32
      %dma_wait3A_458 = tpu.memref_slice %arg6[%dma_wait3A_455, %dma_wait3A_456, %dma_wait3A_457] : memref<8x128x64xf32, #tpu.memory_space<vmem>> -> memref<1x128x64xf32, #tpu.memory_space<vmem>>
      %dma_wait3A_459 = tpu.memref_squeeze %dma_wait3A_458 : memref<1x128x64xf32, #tpu.memory_space<vmem>> -> memref<128x64xf32, #tpu.memory_space<vmem>>
      %dma_wait3A_460 = arith.constant 0 : i32
      %dma_wait3A_461 = tpu.memref_slice %arg5[%dma_wait3A_454, %dma_wait3A_460] : memref<200x128xi32, #tpu.memory_space<vmem>> -> memref<1x128xi32, #tpu.memory_space<vmem>>
      %dma_wait3A_462 = tpu.memref_squeeze %dma_wait3A_461 : memref<1x128xi32, #tpu.memory_space<vmem>> -> memref<128xi32, #tpu.memory_space<vmem>>
      %dma_wait3A_463 = arith.constant 0 : i32
      %dma_wait3A_464 = arith.constant 0 : i32
      %dma_wait3A_465 = tpu.memref_slice %arg2[%dma_wait3A_463, %dma_wait3A_464] : memref<1000000x64xf32, #tpu.memory_space<hbm>> -> memref<1000000x64xf32, #tpu.memory_space<hbm>>
      tpu.wait_indirect_dma semaphore(%arg11 : memref<!tpu.dma_semaphore, #tpu.memory_space<semaphore_mem>>) src(%dma_wait3A_465 : memref<1000000x64xf32, #tpu.memory_space<hbm>>) dst(%dma_wait3A_459 : memref<128x64xf32, #tpu.memory_space<vmem>>)
      %mul3A_466 = arith.constant 128 : i32
      %mul3A_467 = arith.muli %add3A_453, %mul3A_466 : i32
      %add3A_468 = arith.addi %mul3A_2, %mul3A_467 : i32
      %jit3A_469 = arith.constant 4096 : i32
      %div3A_470 = arith.divsi %add3A_468, %jit3A_469 : i32
      %sign3A_471 = arith.constant 0 : i32
      %sign3A_472 = arith.cmpi sgt, %add3A_468, %sign3A_471 : i32
      %sign3A_473 = arith.extui %sign3A_472 : i1 to i32
      %sign3A_474 = arith.constant 0 : i32
      %sign3A_475 = arith.cmpi slt, %add3A_468, %sign3A_474 : i32
      %sign3A_476 = arith.extui %sign3A_475 : i1 to i32
      %sign3A_477 = arith.subi %sign3A_473, %sign3A_476 : i32
      %sign3A_478 = arith.constant 0 : i32
      %sign3A_479 = arith.cmpi sgt, %jit3A_469, %sign3A_478 : i32
      %sign3A_480 = arith.extui %sign3A_479 : i1 to i32
      %sign3A_481 = arith.constant 0 : i32
      %sign3A_482 = arith.cmpi slt, %jit3A_469, %sign3A_481 : i32
      %sign3A_483 = arith.extui %sign3A_482 : i1 to i32
      %sign3A_484 = arith.subi %sign3A_480, %sign3A_483 : i32
      %ne3A_485 = arith.cmpi ne, %sign3A_477, %sign3A_484 : i32
      %rem3A_486 = arith.remsi %add3A_468, %jit3A_469 : i32
      %ne3A_487 = arith.constant 0 : i32
      %ne3A_488 = arith.cmpi ne, %rem3A_486, %ne3A_487 : i32
      %and3A_489 = arith.andi %ne3A_485, %ne3A_488 : i1
      %sub3A_490 = arith.constant 1 : i32
      %sub3A_491 = arith.subi %div3A_470, %sub3A_490 : i32
      %select_n3A_492 = arith.select %and3A_489, %sub3A_491, %div3A_470 : i32
      %mul3A_493 = arith.constant 4096 : i32
      %mul3A_494 = arith.muli %select_n3A_492, %mul3A_493 : i32
      %sub3A_495 = arith.subi %add3A_468, %mul3A_494 : i32
      %dma_start3A_496 = arith.constant 4 : i32
      %dma_start3A_497 = arith.constant 0 : i32
      %dma_start3A_498 = arith.constant 0 : i32
      %dma_start3A_499 = arith.constant 0 : i32
      %dma_start3A_500 = tpu.memref_slice %arg6[%dma_start3A_496, %dma_start3A_498, %dma_start3A_499] : memref<8x128x64xf32, #tpu.memory_space<vmem>> -> memref<1x128x64xf32, #tpu.memory_space<vmem>>
      %dma_start3A_501 = tpu.memref_squeeze %dma_start3A_500 : memref<1x128x64xf32, #tpu.memory_space<vmem>> -> memref<128x64xf32, #tpu.memory_space<vmem>>
      %dma_start3A_502 = arith.constant 0 : i32
      %dma_start3A_503 = tpu.memref_slice %arg4[%select_n3A_492, %sub3A_495, %dma_start3A_497, %dma_start3A_502] : memref<200x4096x1x64xf32, #tpu.memory_space<hbm>> -> memref<1x128x1x64xf32, #tpu.memory_space<hbm>>
      %dma_start3A_504 = tpu.memref_squeeze %dma_start3A_503 : memref<1x128x1x64xf32, #tpu.memory_space<hbm>> -> memref<128x64xf32, #tpu.memory_space<hbm>>
      %dma_start3A_505 = arith.constant 0 : i32
      %dma_start3A_506 = tpu.memref_slice %arg4[%select_n3A_492, %sub3A_495, %dma_start3A_497, %dma_start3A_505] : memref<200x4096x1x64xf32, #tpu.memory_space<hbm>> -> memref<1x128x1x64xf32, #tpu.memory_space<hbm>>
      %dma_start3A_507 = tpu.memref_squeeze %dma_start3A_506 : memref<1x128x1x64xf32, #tpu.memory_space<hbm>> -> memref<128x64xf32, #tpu.memory_space<hbm>>
      %dma_start3A_508 = arith.constant 0 : i32
      %dma_start3A_509 = arith.constant 0 : i32
      %dma_start3A_510 = tpu.memref_slice %arg6[%dma_start3A_496, %dma_start3A_508, %dma_start3A_509] : memref<8x128x64xf32, #tpu.memory_space<vmem>> -> memref<1x128x64xf32, #tpu.memory_space<vmem>>
      %dma_start3A_511 = tpu.memref_squeeze %dma_start3A_510 : memref<1x128x64xf32, #tpu.memory_space<vmem>> -> memref<128x64xf32, #tpu.memory_space<vmem>>
      tpu.enqueue_dma source(%dma_start3A_511 : memref<128x64xf32, #tpu.memory_space<vmem>>) target(%dma_start3A_507 : memref<128x64xf32, #tpu.memory_space<hbm>>) target_semaphore(%arg19 : memref<!tpu.dma_semaphore, #tpu.memory_space<semaphore_mem>>)
      %dma_wait3A_512 = arith.constant 3 : i32
      %dma_wait3A_513 = arith.constant 0 : i32
      %dma_wait3A_514 = arith.constant 0 : i32
      %dma_wait3A_515 = arith.constant 0 : i32
      %dma_wait3A_516 = arith.constant 0 : i32
      %dma_wait3A_517 = tpu.memref_slice %arg6[%dma_wait3A_512, %dma_wait3A_515, %dma_wait3A_516] : memref<8x128x64xf32, #tpu.memory_space<vmem>> -> memref<1x128x64xf32, #tpu.memory_space<vmem>>
      %dma_wait3A_518 = tpu.memref_squeeze %dma_wait3A_517 : memref<1x128x64xf32, #tpu.memory_space<vmem>> -> memref<128x64xf32, #tpu.memory_space<vmem>>
      %dma_wait3A_519 = arith.constant 0 : i32
      %dma_wait3A_520 = arith.constant 0 : i32
      %dma_wait3A_521 = tpu.memref_slice %arg4[%dma_wait3A_513, %dma_wait3A_519, %dma_wait3A_514, %dma_wait3A_520] : memref<200x4096x1x64xf32, #tpu.memory_space<hbm>> -> memref<1x128x1x64xf32, #tpu.memory_space<hbm>>
      %dma_wait3A_522 = tpu.memref_squeeze %dma_wait3A_521 : memref<1x128x1x64xf32, #tpu.memory_space<hbm>> -> memref<128x64xf32, #tpu.memory_space<hbm>>
      %dma_wait3A_523 = arith.constant 0 : i32
      %dma_wait3A_524 = arith.constant 0 : i32
      %dma_wait3A_525 = tpu.memref_slice %arg4[%dma_wait3A_513, %dma_wait3A_523, %dma_wait3A_514, %dma_wait3A_524] : memref<200x4096x1x64xf32, #tpu.memory_space<hbm>> -> memref<1x128x1x64xf32, #tpu.memory_space<hbm>>
      %dma_wait3A_526 = tpu.memref_squeeze %dma_wait3A_525 : memref<1x128x1x64xf32, #tpu.memory_space<hbm>> -> memref<128x64xf32, #tpu.memory_space<hbm>>
      %dma_wait3A_527 = arith.constant 0 : i32
      %dma_wait3A_528 = arith.constant 0 : i32
      %dma_wait3A_529 = tpu.memref_slice %arg6[%dma_wait3A_512, %dma_wait3A_527, %dma_wait3A_528] : memref<8x128x64xf32, #tpu.memory_space<vmem>> -> memref<1x128x64xf32, #tpu.memory_space<vmem>>
      %dma_wait3A_530 = tpu.memref_squeeze %dma_wait3A_529 : memref<1x128x64xf32, #tpu.memory_space<vmem>> -> memref<128x64xf32, #tpu.memory_space<vmem>>
      tpu.wait_dma2 semaphore(%arg18 : memref<!tpu.dma_semaphore, #tpu.memory_space<semaphore_mem>>) src(%dma_wait3A_530 : memref<128x64xf32, #tpu.memory_space<vmem>>) dst(%dma_wait3A_526 : memref<128x64xf32, #tpu.memory_space<hbm>>)
      %add3A_531 = arith.constant 8 : i32
      %add3A_532 = arith.addi %add3A_453, %add3A_531 : i32
      %sub3A_533 = arith.constant 1 : i32
      %sub3A_534 = arith.subi %add3A_532, %sub3A_533 : i32
      %lt3A_535 = arith.constant 200 : i32
      %lt3A_536 = arith.cmpi slt, %sub3A_534, %lt3A_535 : i32
      %convert_element_type3A_537 = arith.extui %lt3A_536 : i1 to i32
      %cond3A_538 = arith.constant 0 : i32
      %cond3A_539 = arith.cmpi ne, %convert_element_type3A_537, %cond3A_538 : i32
      scf.if %cond3A_539 {
        %add3A_810 = arith.constant 8 : i32
        %add3A_811 = arith.addi %add3A_453, %add3A_810 : i32
        %sub3A_812 = arith.constant 1 : i32
        %sub3A_813 = arith.subi %add3A_811, %sub3A_812 : i32
        %dma_start3A_814 = arith.constant 3 : i32
        %dma_start3A_815 = arith.constant 0 : i32
        %dma_start3A_816 = arith.constant 0 : i32
        %dma_start3A_817 = tpu.memref_slice %arg6[%dma_start3A_814, %dma_start3A_815, %dma_start3A_816] : memref<8x128x64xf32, #tpu.memory_space<vmem>> -> memref<1x128x64xf32, #tpu.memory_space<vmem>>
        %dma_start3A_818 = tpu.memref_squeeze %dma_start3A_817 : memref<1x128x64xf32, #tpu.memory_space<vmem>> -> memref<128x64xf32, #tpu.memory_space<vmem>>
        %dma_start3A_819 = arith.constant 0 : i32
        %dma_start3A_820 = tpu.memref_slice %arg5[%sub3A_813, %dma_start3A_819] : memref<200x128xi32, #tpu.memory_space<vmem>> -> memref<1x128xi32, #tpu.memory_space<vmem>>
        %dma_start3A_821 = tpu.memref_squeeze %dma_start3A_820 : memref<1x128xi32, #tpu.memory_space<vmem>> -> memref<128xi32, #tpu.memory_space<vmem>>
        %dma_start3A_822 = arith.constant 0 : i32
        %dma_start3A_823 = arith.constant 0 : i32
        %dma_start3A_824 = tpu.memref_slice %arg2[%dma_start3A_822, %dma_start3A_823] : memref<1000000x64xf32, #tpu.memory_space<hbm>> -> memref<1000000x64xf32, #tpu.memory_space<hbm>>
        tpu.enqueue_indirect_dma source(%dma_start3A_824 : memref<1000000x64xf32, #tpu.memory_space<hbm>>) target(%dma_start3A_818 : memref<128x64xf32, #tpu.memory_space<vmem>>) offsets(%dma_start3A_821 : memref<128xi32, #tpu.memory_space<vmem>>) semaphore(%arg10 : memref<!tpu.dma_semaphore, #tpu.memory_space<semaphore_mem>>)
      } else {
      }
      %mul3A_540 = arith.constant 8 : i32
      %mul3A_541 = arith.muli %scan3A_109, %mul3A_540 : i32
      %add3A_542 = arith.constant 5 : i32
      %add3A_543 = arith.addi %mul3A_541, %add3A_542 : i32
      %dma_wait3A_544 = arith.constant 0 : i32
      %dma_wait3A_545 = arith.constant 5 : i32
      %dma_wait3A_546 = arith.constant 0 : i32
      %dma_wait3A_547 = arith.constant 0 : i32
      %dma_wait3A_548 = tpu.memref_slice %arg6[%dma_wait3A_545, %dma_wait3A_546, %dma_wait3A_547] : memref<8x128x64xf32, #tpu.memory_space<vmem>> -> memref<1x128x64xf32, #tpu.memory_space<vmem>>
      %dma_wait3A_549 = tpu.memref_squeeze %dma_wait3A_548 : memref<1x128x64xf32, #tpu.memory_space<vmem>> -> memref<128x64xf32, #tpu.memory_space<vmem>>
      %dma_wait3A_550 = arith.constant 0 : i32
      %dma_wait3A_551 = tpu.memref_slice %arg5[%dma_wait3A_544, %dma_wait3A_550] : memref<200x128xi32, #tpu.memory_space<vmem>> -> memref<1x128xi32, #tpu.memory_space<vmem>>
      %dma_wait3A_552 = tpu.memref_squeeze %dma_wait3A_551 : memref<1x128xi32, #tpu.memory_space<vmem>> -> memref<128xi32, #tpu.memory_space<vmem>>
      %dma_wait3A_553 = arith.constant 0 : i32
      %dma_wait3A_554 = arith.constant 0 : i32
      %dma_wait3A_555 = tpu.memref_slice %arg2[%dma_wait3A_553, %dma_wait3A_554] : memref<1000000x64xf32, #tpu.memory_space<hbm>> -> memref<1000000x64xf32, #tpu.memory_space<hbm>>
      tpu.wait_indirect_dma semaphore(%arg12 : memref<!tpu.dma_semaphore, #tpu.memory_space<semaphore_mem>>) src(%dma_wait3A_555 : memref<1000000x64xf32, #tpu.memory_space<hbm>>) dst(%dma_wait3A_549 : memref<128x64xf32, #tpu.memory_space<vmem>>)
      %mul3A_556 = arith.constant 128 : i32
      %mul3A_557 = arith.muli %add3A_543, %mul3A_556 : i32
      %add3A_558 = arith.addi %mul3A_2, %mul3A_557 : i32
      %jit3A_559 = arith.constant 4096 : i32
      %div3A_560 = arith.divsi %add3A_558, %jit3A_559 : i32
      %sign3A_561 = arith.constant 0 : i32
      %sign3A_562 = arith.cmpi sgt, %add3A_558, %sign3A_561 : i32
      %sign3A_563 = arith.extui %sign3A_562 : i1 to i32
      %sign3A_564 = arith.constant 0 : i32
      %sign3A_565 = arith.cmpi slt, %add3A_558, %sign3A_564 : i32
      %sign3A_566 = arith.extui %sign3A_565 : i1 to i32
      %sign3A_567 = arith.subi %sign3A_563, %sign3A_566 : i32
      %sign3A_568 = arith.constant 0 : i32
      %sign3A_569 = arith.cmpi sgt, %jit3A_559, %sign3A_568 : i32
      %sign3A_570 = arith.extui %sign3A_569 : i1 to i32
      %sign3A_571 = arith.constant 0 : i32
      %sign3A_572 = arith.cmpi slt, %jit3A_559, %sign3A_571 : i32
      %sign3A_573 = arith.extui %sign3A_572 : i1 to i32
      %sign3A_574 = arith.subi %sign3A_570, %sign3A_573 : i32
      %ne3A_575 = arith.cmpi ne, %sign3A_567, %sign3A_574 : i32
      %rem3A_576 = arith.remsi %add3A_558, %jit3A_559 : i32
      %ne3A_577 = arith.constant 0 : i32
      %ne3A_578 = arith.cmpi ne, %rem3A_576, %ne3A_577 : i32
      %and3A_579 = arith.andi %ne3A_575, %ne3A_578 : i1
      %sub3A_580 = arith.constant 1 : i32
      %sub3A_581 = arith.subi %div3A_560, %sub3A_580 : i32
      %select_n3A_582 = arith.select %and3A_579, %sub3A_581, %div3A_560 : i32
      %mul3A_583 = arith.constant 4096 : i32
      %mul3A_584 = arith.muli %select_n3A_582, %mul3A_583 : i32
      %sub3A_585 = arith.subi %add3A_558, %mul3A_584 : i32
      %dma_start3A_586 = arith.constant 5 : i32
      %dma_start3A_587 = arith.constant 0 : i32
      %dma_start3A_588 = arith.constant 0 : i32
      %dma_start3A_589 = arith.constant 0 : i32
      %dma_start3A_590 = tpu.memref_slice %arg6[%dma_start3A_586, %dma_start3A_588, %dma_start3A_589] : memref<8x128x64xf32, #tpu.memory_space<vmem>> -> memref<1x128x64xf32, #tpu.memory_space<vmem>>
      %dma_start3A_591 = tpu.memref_squeeze %dma_start3A_590 : memref<1x128x64xf32, #tpu.memory_space<vmem>> -> memref<128x64xf32, #tpu.memory_space<vmem>>
      %dma_start3A_592 = arith.constant 0 : i32
      %dma_start3A_593 = tpu.memref_slice %arg4[%select_n3A_582, %sub3A_585, %dma_start3A_587, %dma_start3A_592] : memref<200x4096x1x64xf32, #tpu.memory_space<hbm>> -> memref<1x128x1x64xf32, #tpu.memory_space<hbm>>
      %dma_start3A_594 = tpu.memref_squeeze %dma_start3A_593 : memref<1x128x1x64xf32, #tpu.memory_space<hbm>> -> memref<128x64xf32, #tpu.memory_space<hbm>>
      %dma_start3A_595 = arith.constant 0 : i32
      %dma_start3A_596 = tpu.memref_slice %arg4[%select_n3A_582, %sub3A_585, %dma_start3A_587, %dma_start3A_595] : memref<200x4096x1x64xf32, #tpu.memory_space<hbm>> -> memref<1x128x1x64xf32, #tpu.memory_space<hbm>>
      %dma_start3A_597 = tpu.memref_squeeze %dma_start3A_596 : memref<1x128x1x64xf32, #tpu.memory_space<hbm>> -> memref<128x64xf32, #tpu.memory_space<hbm>>
      %dma_start3A_598 = arith.constant 0 : i32
      %dma_start3A_599 = arith.constant 0 : i32
      %dma_start3A_600 = tpu.memref_slice %arg6[%dma_start3A_586, %dma_start3A_598, %dma_start3A_599] : memref<8x128x64xf32, #tpu.memory_space<vmem>> -> memref<1x128x64xf32, #tpu.memory_space<vmem>>
      %dma_start3A_601 = tpu.memref_squeeze %dma_start3A_600 : memref<1x128x64xf32, #tpu.memory_space<vmem>> -> memref<128x64xf32, #tpu.memory_space<vmem>>
      tpu.enqueue_dma source(%dma_start3A_601 : memref<128x64xf32, #tpu.memory_space<vmem>>) target(%dma_start3A_597 : memref<128x64xf32, #tpu.memory_space<hbm>>) target_semaphore(%arg20 : memref<!tpu.dma_semaphore, #tpu.memory_space<semaphore_mem>>)
      %dma_wait3A_602 = arith.constant 4 : i32
      %dma_wait3A_603 = arith.constant 0 : i32
      %dma_wait3A_604 = arith.constant 0 : i32
      %dma_wait3A_605 = arith.constant 0 : i32
      %dma_wait3A_606 = arith.constant 0 : i32
      %dma_wait3A_607 = tpu.memref_slice %arg6[%dma_wait3A_602, %dma_wait3A_605, %dma_wait3A_606] : memref<8x128x64xf32, #tpu.memory_space<vmem>> -> memref<1x128x64xf32, #tpu.memory_space<vmem>>
      %dma_wait3A_608 = tpu.memref_squeeze %dma_wait3A_607 : memref<1x128x64xf32, #tpu.memory_space<vmem>> -> memref<128x64xf32, #tpu.memory_space<vmem>>
      %dma_wait3A_609 = arith.constant 0 : i32
      %dma_wait3A_610 = arith.constant 0 : i32
      %dma_wait3A_611 = tpu.memref_slice %arg4[%dma_wait3A_603, %dma_wait3A_609, %dma_wait3A_604, %dma_wait3A_610] : memref<200x4096x1x64xf32, #tpu.memory_space<hbm>> -> memref<1x128x1x64xf32, #tpu.memory_space<hbm>>
      %dma_wait3A_612 = tpu.memref_squeeze %dma_wait3A_611 : memref<1x128x1x64xf32, #tpu.memory_space<hbm>> -> memref<128x64xf32, #tpu.memory_space<hbm>>
      %dma_wait3A_613 = arith.constant 0 : i32
      %dma_wait3A_614 = arith.constant 0 : i32
      %dma_wait3A_615 = tpu.memref_slice %arg4[%dma_wait3A_603, %dma_wait3A_613, %dma_wait3A_604, %dma_wait3A_614] : memref<200x4096x1x64xf32, #tpu.memory_space<hbm>> -> memref<1x128x1x64xf32, #tpu.memory_space<hbm>>
      %dma_wait3A_616 = tpu.memref_squeeze %dma_wait3A_615 : memref<1x128x1x64xf32, #tpu.memory_space<hbm>> -> memref<128x64xf32, #tpu.memory_space<hbm>>
      %dma_wait3A_617 = arith.constant 0 : i32
      %dma_wait3A_618 = arith.constant 0 : i32
      %dma_wait3A_619 = tpu.memref_slice %arg6[%dma_wait3A_602, %dma_wait3A_617, %dma_wait3A_618] : memref<8x128x64xf32, #tpu.memory_space<vmem>> -> memref<1x128x64xf32, #tpu.memory_space<vmem>>
      %dma_wait3A_620 = tpu.memref_squeeze %dma_wait3A_619 : memref<1x128x64xf32, #tpu.memory_space<vmem>> -> memref<128x64xf32, #tpu.memory_space<vmem>>
      tpu.wait_dma2 semaphore(%arg19 : memref<!tpu.dma_semaphore, #tpu.memory_space<semaphore_mem>>) src(%dma_wait3A_620 : memref<128x64xf32, #tpu.memory_space<vmem>>) dst(%dma_wait3A_616 : memref<128x64xf32, #tpu.memory_space<hbm>>)
      %add3A_621 = arith.constant 8 : i32
      %add3A_622 = arith.addi %add3A_543, %add3A_621 : i32
      %sub3A_623 = arith.constant 1 : i32
      %sub3A_624 = arith.subi %add3A_622, %sub3A_623 : i32
      %lt3A_625 = arith.constant 200 : i32
      %lt3A_626 = arith.cmpi slt, %sub3A_624, %lt3A_625 : i32
      %convert_element_type3A_627 = arith.extui %lt3A_626 : i1 to i32
      %cond3A_628 = arith.constant 0 : i32
      %cond3A_629 = arith.cmpi ne, %convert_element_type3A_627, %cond3A_628 : i32
      scf.if %cond3A_629 {
        %add3A_810 = arith.constant 8 : i32
        %add3A_811 = arith.addi %add3A_543, %add3A_810 : i32
        %sub3A_812 = arith.constant 1 : i32
        %sub3A_813 = arith.subi %add3A_811, %sub3A_812 : i32
        %dma_start3A_814 = arith.constant 4 : i32
        %dma_start3A_815 = arith.constant 0 : i32
        %dma_start3A_816 = arith.constant 0 : i32
        %dma_start3A_817 = tpu.memref_slice %arg6[%dma_start3A_814, %dma_start3A_815, %dma_start3A_816] : memref<8x128x64xf32, #tpu.memory_space<vmem>> -> memref<1x128x64xf32, #tpu.memory_space<vmem>>
        %dma_start3A_818 = tpu.memref_squeeze %dma_start3A_817 : memref<1x128x64xf32, #tpu.memory_space<vmem>> -> memref<128x64xf32, #tpu.memory_space<vmem>>
        %dma_start3A_819 = arith.constant 0 : i32
        %dma_start3A_820 = tpu.memref_slice %arg5[%sub3A_813, %dma_start3A_819] : memref<200x128xi32, #tpu.memory_space<vmem>> -> memref<1x128xi32, #tpu.memory_space<vmem>>
        %dma_start3A_821 = tpu.memref_squeeze %dma_start3A_820 : memref<1x128xi32, #tpu.memory_space<vmem>> -> memref<128xi32, #tpu.memory_space<vmem>>
        %dma_start3A_822 = arith.constant 0 : i32
        %dma_start3A_823 = arith.constant 0 : i32
        %dma_start3A_824 = tpu.memref_slice %arg2[%dma_start3A_822, %dma_start3A_823] : memref<1000000x64xf32, #tpu.memory_space<hbm>> -> memref<1000000x64xf32, #tpu.memory_space<hbm>>
        tpu.enqueue_indirect_dma source(%dma_start3A_824 : memref<1000000x64xf32, #tpu.memory_space<hbm>>) target(%dma_start3A_818 : memref<128x64xf32, #tpu.memory_space<vmem>>) offsets(%dma_start3A_821 : memref<128xi32, #tpu.memory_space<vmem>>) semaphore(%arg11 : memref<!tpu.dma_semaphore, #tpu.memory_space<semaphore_mem>>)
      } else {
      }
      %mul3A_630 = arith.constant 8 : i32
      %mul3A_631 = arith.muli %scan3A_109, %mul3A_630 : i32
      %add3A_632 = arith.constant 6 : i32
      %add3A_633 = arith.addi %mul3A_631, %add3A_632 : i32
      %dma_wait3A_634 = arith.constant 0 : i32
      %dma_wait3A_635 = arith.constant 6 : i32
      %dma_wait3A_636 = arith.constant 0 : i32
      %dma_wait3A_637 = arith.constant 0 : i32
      %dma_wait3A_638 = tpu.memref_slice %arg6[%dma_wait3A_635, %dma_wait3A_636, %dma_wait3A_637] : memref<8x128x64xf32, #tpu.memory_space<vmem>> -> memref<1x128x64xf32, #tpu.memory_space<vmem>>
      %dma_wait3A_639 = tpu.memref_squeeze %dma_wait3A_638 : memref<1x128x64xf32, #tpu.memory_space<vmem>> -> memref<128x64xf32, #tpu.memory_space<vmem>>
      %dma_wait3A_640 = arith.constant 0 : i32
      %dma_wait3A_641 = tpu.memref_slice %arg5[%dma_wait3A_634, %dma_wait3A_640] : memref<200x128xi32, #tpu.memory_space<vmem>> -> memref<1x128xi32, #tpu.memory_space<vmem>>
      %dma_wait3A_642 = tpu.memref_squeeze %dma_wait3A_641 : memref<1x128xi32, #tpu.memory_space<vmem>> -> memref<128xi32, #tpu.memory_space<vmem>>
      %dma_wait3A_643 = arith.constant 0 : i32
      %dma_wait3A_644 = arith.constant 0 : i32
      %dma_wait3A_645 = tpu.memref_slice %arg2[%dma_wait3A_643, %dma_wait3A_644] : memref<1000000x64xf32, #tpu.memory_space<hbm>> -> memref<1000000x64xf32, #tpu.memory_space<hbm>>
      tpu.wait_indirect_dma semaphore(%arg13 : memref<!tpu.dma_semaphore, #tpu.memory_space<semaphore_mem>>) src(%dma_wait3A_645 : memref<1000000x64xf32, #tpu.memory_space<hbm>>) dst(%dma_wait3A_639 : memref<128x64xf32, #tpu.memory_space<vmem>>)
      %mul3A_646 = arith.constant 128 : i32
      %mul3A_647 = arith.muli %add3A_633, %mul3A_646 : i32
      %add3A_648 = arith.addi %mul3A_2, %mul3A_647 : i32
      %jit3A_649 = arith.constant 4096 : i32
      %div3A_650 = arith.divsi %add3A_648, %jit3A_649 : i32
      %sign3A_651 = arith.constant 0 : i32
      %sign3A_652 = arith.cmpi sgt, %add3A_648, %sign3A_651 : i32
      %sign3A_653 = arith.extui %sign3A_652 : i1 to i32
      %sign3A_654 = arith.constant 0 : i32
      %sign3A_655 = arith.cmpi slt, %add3A_648, %sign3A_654 : i32
      %sign3A_656 = arith.extui %sign3A_655 : i1 to i32
      %sign3A_657 = arith.subi %sign3A_653, %sign3A_656 : i32
      %sign3A_658 = arith.constant 0 : i32
      %sign3A_659 = arith.cmpi sgt, %jit3A_649, %sign3A_658 : i32
      %sign3A_660 = arith.extui %sign3A_659 : i1 to i32
      %sign3A_661 = arith.constant 0 : i32
      %sign3A_662 = arith.cmpi slt, %jit3A_649, %sign3A_661 : i32
      %sign3A_663 = arith.extui %sign3A_662 : i1 to i32
      %sign3A_664 = arith.subi %sign3A_660, %sign3A_663 : i32
      %ne3A_665 = arith.cmpi ne, %sign3A_657, %sign3A_664 : i32
      %rem3A_666 = arith.remsi %add3A_648, %jit3A_649 : i32
      %ne3A_667 = arith.constant 0 : i32
      %ne3A_668 = arith.cmpi ne, %rem3A_666, %ne3A_667 : i32
      %and3A_669 = arith.andi %ne3A_665, %ne3A_668 : i1
      %sub3A_670 = arith.constant 1 : i32
      %sub3A_671 = arith.subi %div3A_650, %sub3A_670 : i32
      %select_n3A_672 = arith.select %and3A_669, %sub3A_671, %div3A_650 : i32
      %mul3A_673 = arith.constant 4096 : i32
      %mul3A_674 = arith.muli %select_n3A_672, %mul3A_673 : i32
      %sub3A_675 = arith.subi %add3A_648, %mul3A_674 : i32
      %dma_start3A_676 = arith.constant 6 : i32
      %dma_start3A_677 = arith.constant 0 : i32
      %dma_start3A_678 = arith.constant 0 : i32
      %dma_start3A_679 = arith.constant 0 : i32
      %dma_start3A_680 = tpu.memref_slice %arg6[%dma_start3A_676, %dma_start3A_678, %dma_start3A_679] : memref<8x128x64xf32, #tpu.memory_space<vmem>> -> memref<1x128x64xf32, #tpu.memory_space<vmem>>
      %dma_start3A_681 = tpu.memref_squeeze %dma_start3A_680 : memref<1x128x64xf32, #tpu.memory_space<vmem>> -> memref<128x64xf32, #tpu.memory_space<vmem>>
      %dma_start3A_682 = arith.constant 0 : i32
      %dma_start3A_683 = tpu.memref_slice %arg4[%select_n3A_672, %sub3A_675, %dma_start3A_677, %dma_start3A_682] : memref<200x4096x1x64xf32, #tpu.memory_space<hbm>> -> memref<1x128x1x64xf32, #tpu.memory_space<hbm>>
      %dma_start3A_684 = tpu.memref_squeeze %dma_start3A_683 : memref<1x128x1x64xf32, #tpu.memory_space<hbm>> -> memref<128x64xf32, #tpu.memory_space<hbm>>
      %dma_start3A_685 = arith.constant 0 : i32
      %dma_start3A_686 = tpu.memref_slice %arg4[%select_n3A_672, %sub3A_675, %dma_start3A_677, %dma_start3A_685] : memref<200x4096x1x64xf32, #tpu.memory_space<hbm>> -> memref<1x128x1x64xf32, #tpu.memory_space<hbm>>
      %dma_start3A_687 = tpu.memref_squeeze %dma_start3A_686 : memref<1x128x1x64xf32, #tpu.memory_space<hbm>> -> memref<128x64xf32, #tpu.memory_space<hbm>>
      %dma_start3A_688 = arith.constant 0 : i32
      %dma_start3A_689 = arith.constant 0 : i32
      %dma_start3A_690 = tpu.memref_slice %arg6[%dma_start3A_676, %dma_start3A_688, %dma_start3A_689] : memref<8x128x64xf32, #tpu.memory_space<vmem>> -> memref<1x128x64xf32, #tpu.memory_space<vmem>>
      %dma_start3A_691 = tpu.memref_squeeze %dma_start3A_690 : memref<1x128x64xf32, #tpu.memory_space<vmem>> -> memref<128x64xf32, #tpu.memory_space<vmem>>
      tpu.enqueue_dma source(%dma_start3A_691 : memref<128x64xf32, #tpu.memory_space<vmem>>) target(%dma_start3A_687 : memref<128x64xf32, #tpu.memory_space<hbm>>) target_semaphore(%arg21 : memref<!tpu.dma_semaphore, #tpu.memory_space<semaphore_mem>>)
      %dma_wait3A_692 = arith.constant 5 : i32
      %dma_wait3A_693 = arith.constant 0 : i32
      %dma_wait3A_694 = arith.constant 0 : i32
      %dma_wait3A_695 = arith.constant 0 : i32
      %dma_wait3A_696 = arith.constant 0 : i32
      %dma_wait3A_697 = tpu.memref_slice %arg6[%dma_wait3A_692, %dma_wait3A_695, %dma_wait3A_696] : memref<8x128x64xf32, #tpu.memory_space<vmem>> -> memref<1x128x64xf32, #tpu.memory_space<vmem>>
      %dma_wait3A_698 = tpu.memref_squeeze %dma_wait3A_697 : memref<1x128x64xf32, #tpu.memory_space<vmem>> -> memref<128x64xf32, #tpu.memory_space<vmem>>
      %dma_wait3A_699 = arith.constant 0 : i32
      %dma_wait3A_700 = arith.constant 0 : i32
      %dma_wait3A_701 = tpu.memref_slice %arg4[%dma_wait3A_693, %dma_wait3A_699, %dma_wait3A_694, %dma_wait3A_700] : memref<200x4096x1x64xf32, #tpu.memory_space<hbm>> -> memref<1x128x1x64xf32, #tpu.memory_space<hbm>>
      %dma_wait3A_702 = tpu.memref_squeeze %dma_wait3A_701 : memref<1x128x1x64xf32, #tpu.memory_space<hbm>> -> memref<128x64xf32, #tpu.memory_space<hbm>>
      %dma_wait3A_703 = arith.constant 0 : i32
      %dma_wait3A_704 = arith.constant 0 : i32
      %dma_wait3A_705 = tpu.memref_slice %arg4[%dma_wait3A_693, %dma_wait3A_703, %dma_wait3A_694, %dma_wait3A_704] : memref<200x4096x1x64xf32, #tpu.memory_space<hbm>> -> memref<1x128x1x64xf32, #tpu.memory_space<hbm>>
      %dma_wait3A_706 = tpu.memref_squeeze %dma_wait3A_705 : memref<1x128x1x64xf32, #tpu.memory_space<hbm>> -> memref<128x64xf32, #tpu.memory_space<hbm>>
      %dma_wait3A_707 = arith.constant 0 : i32
      %dma_wait3A_708 = arith.constant 0 : i32
      %dma_wait3A_709 = tpu.memref_slice %arg6[%dma_wait3A_692, %dma_wait3A_707, %dma_wait3A_708] : memref<8x128x64xf32, #tpu.memory_space<vmem>> -> memref<1x128x64xf32, #tpu.memory_space<vmem>>
      %dma_wait3A_710 = tpu.memref_squeeze %dma_wait3A_709 : memref<1x128x64xf32, #tpu.memory_space<vmem>> -> memref<128x64xf32, #tpu.memory_space<vmem>>
      tpu.wait_dma2 semaphore(%arg20 : memref<!tpu.dma_semaphore, #tpu.memory_space<semaphore_mem>>) src(%dma_wait3A_710 : memref<128x64xf32, #tpu.memory_space<vmem>>) dst(%dma_wait3A_706 : memref<128x64xf32, #tpu.memory_space<hbm>>)
      %add3A_711 = arith.constant 8 : i32
      %add3A_712 = arith.addi %add3A_633, %add3A_711 : i32
      %sub3A_713 = arith.constant 1 : i32
      %sub3A_714 = arith.subi %add3A_712, %sub3A_713 : i32
      %lt3A_715 = arith.constant 200 : i32
      %lt3A_716 = arith.cmpi slt, %sub3A_714, %lt3A_715 : i32
      %convert_element_type3A_717 = arith.extui %lt3A_716 : i1 to i32
      %cond3A_718 = arith.constant 0 : i32
      %cond3A_719 = arith.cmpi ne, %convert_element_type3A_717, %cond3A_718 : i32
      scf.if %cond3A_719 {
        %add3A_810 = arith.constant 8 : i32
        %add3A_811 = arith.addi %add3A_633, %add3A_810 : i32
        %sub3A_812 = arith.constant 1 : i32
        %sub3A_813 = arith.subi %add3A_811, %sub3A_812 : i32
        %dma_start3A_814 = arith.constant 5 : i32
        %dma_start3A_815 = arith.constant 0 : i32
        %dma_start3A_816 = arith.constant 0 : i32
        %dma_start3A_817 = tpu.memref_slice %arg6[%dma_start3A_814, %dma_start3A_815, %dma_start3A_816] : memref<8x128x64xf32, #tpu.memory_space<vmem>> -> memref<1x128x64xf32, #tpu.memory_space<vmem>>
        %dma_start3A_818 = tpu.memref_squeeze %dma_start3A_817 : memref<1x128x64xf32, #tpu.memory_space<vmem>> -> memref<128x64xf32, #tpu.memory_space<vmem>>
        %dma_start3A_819 = arith.constant 0 : i32
        %dma_start3A_820 = tpu.memref_slice %arg5[%sub3A_813, %dma_start3A_819] : memref<200x128xi32, #tpu.memory_space<vmem>> -> memref<1x128xi32, #tpu.memory_space<vmem>>
        %dma_start3A_821 = tpu.memref_squeeze %dma_start3A_820 : memref<1x128xi32, #tpu.memory_space<vmem>> -> memref<128xi32, #tpu.memory_space<vmem>>
        %dma_start3A_822 = arith.constant 0 : i32
        %dma_start3A_823 = arith.constant 0 : i32
        %dma_start3A_824 = tpu.memref_slice %arg2[%dma_start3A_822, %dma_start3A_823] : memref<1000000x64xf32, #tpu.memory_space<hbm>> -> memref<1000000x64xf32, #tpu.memory_space<hbm>>
        tpu.enqueue_indirect_dma source(%dma_start3A_824 : memref<1000000x64xf32, #tpu.memory_space<hbm>>) target(%dma_start3A_818 : memref<128x64xf32, #tpu.memory_space<vmem>>) offsets(%dma_start3A_821 : memref<128xi32, #tpu.memory_space<vmem>>) semaphore(%arg12 : memref<!tpu.dma_semaphore, #tpu.memory_space<semaphore_mem>>)
      } else {
      }
      %mul3A_720 = arith.constant 8 : i32
      %mul3A_721 = arith.muli %scan3A_109, %mul3A_720 : i32
      %add3A_722 = arith.constant 7 : i32
      %add3A_723 = arith.addi %mul3A_721, %add3A_722 : i32
      %dma_wait3A_724 = arith.constant 0 : i32
      %dma_wait3A_725 = arith.constant 7 : i32
      %dma_wait3A_726 = arith.constant 0 : i32
      %dma_wait3A_727 = arith.constant 0 : i32
      %dma_wait3A_728 = tpu.memref_slice %arg6[%dma_wait3A_725, %dma_wait3A_726, %dma_wait3A_727] : memref<8x128x64xf32, #tpu.memory_space<vmem>> -> memref<1x128x64xf32, #tpu.memory_space<vmem>>
      %dma_wait3A_729 = tpu.memref_squeeze %dma_wait3A_728 : memref<1x128x64xf32, #tpu.memory_space<vmem>> -> memref<128x64xf32, #tpu.memory_space<vmem>>
      %dma_wait3A_730 = arith.constant 0 : i32
      %dma_wait3A_731 = tpu.memref_slice %arg5[%dma_wait3A_724, %dma_wait3A_730] : memref<200x128xi32, #tpu.memory_space<vmem>> -> memref<1x128xi32, #tpu.memory_space<vmem>>
      %dma_wait3A_732 = tpu.memref_squeeze %dma_wait3A_731 : memref<1x128xi32, #tpu.memory_space<vmem>> -> memref<128xi32, #tpu.memory_space<vmem>>
      %dma_wait3A_733 = arith.constant 0 : i32
      %dma_wait3A_734 = arith.constant 0 : i32
      %dma_wait3A_735 = tpu.memref_slice %arg2[%dma_wait3A_733, %dma_wait3A_734] : memref<1000000x64xf32, #tpu.memory_space<hbm>> -> memref<1000000x64xf32, #tpu.memory_space<hbm>>
      tpu.wait_indirect_dma semaphore(%arg14 : memref<!tpu.dma_semaphore, #tpu.memory_space<semaphore_mem>>) src(%dma_wait3A_735 : memref<1000000x64xf32, #tpu.memory_space<hbm>>) dst(%dma_wait3A_729 : memref<128x64xf32, #tpu.memory_space<vmem>>)
      %mul3A_736 = arith.constant 128 : i32
      %mul3A_737 = arith.muli %add3A_723, %mul3A_736 : i32
      %add3A_738 = arith.addi %mul3A_2, %mul3A_737 : i32
      %jit3A_739 = arith.constant 4096 : i32
      %div3A_740 = arith.divsi %add3A_738, %jit3A_739 : i32
      %sign3A_741 = arith.constant 0 : i32
      %sign3A_742 = arith.cmpi sgt, %add3A_738, %sign3A_741 : i32
      %sign3A_743 = arith.extui %sign3A_742 : i1 to i32
      %sign3A_744 = arith.constant 0 : i32
      %sign3A_745 = arith.cmpi slt, %add3A_738, %sign3A_744 : i32
      %sign3A_746 = arith.extui %sign3A_745 : i1 to i32
      %sign3A_747 = arith.subi %sign3A_743, %sign3A_746 : i32
      %sign3A_748 = arith.constant 0 : i32
      %sign3A_749 = arith.cmpi sgt, %jit3A_739, %sign3A_748 : i32
      %sign3A_750 = arith.extui %sign3A_749 : i1 to i32
      %sign3A_751 = arith.constant 0 : i32
      %sign3A_752 = arith.cmpi slt, %jit3A_739, %sign3A_751 : i32
      %sign3A_753 = arith.extui %sign3A_752 : i1 to i32
      %sign3A_754 = arith.subi %sign3A_750, %sign3A_753 : i32
      %ne3A_755 = arith.cmpi ne, %sign3A_747, %sign3A_754 : i32
      %rem3A_756 = arith.remsi %add3A_738, %jit3A_739 : i32
      %ne3A_757 = arith.constant 0 : i32
      %ne3A_758 = arith.cmpi ne, %rem3A_756, %ne3A_757 : i32
      %and3A_759 = arith.andi %ne3A_755, %ne3A_758 : i1
      %sub3A_760 = arith.constant 1 : i32
      %sub3A_761 = arith.subi %div3A_740, %sub3A_760 : i32
      %select_n3A_762 = arith.select %and3A_759, %sub3A_761, %div3A_740 : i32
      %mul3A_763 = arith.constant 4096 : i32
      %mul3A_764 = arith.muli %select_n3A_762, %mul3A_763 : i32
      %sub3A_765 = arith.subi %add3A_738, %mul3A_764 : i32
      %dma_start3A_766 = arith.constant 7 : i32
      %dma_start3A_767 = arith.constant 0 : i32
      %dma_start3A_768 = arith.constant 0 : i32
      %dma_start3A_769 = arith.constant 0 : i32
      %dma_start3A_770 = tpu.memref_slice %arg6[%dma_start3A_766, %dma_start3A_768, %dma_start3A_769] : memref<8x128x64xf32, #tpu.memory_space<vmem>> -> memref<1x128x64xf32, #tpu.memory_space<vmem>>
      %dma_start3A_771 = tpu.memref_squeeze %dma_start3A_770 : memref<1x128x64xf32, #tpu.memory_space<vmem>> -> memref<128x64xf32, #tpu.memory_space<vmem>>
      %dma_start3A_772 = arith.constant 0 : i32
      %dma_start3A_773 = tpu.memref_slice %arg4[%select_n3A_762, %sub3A_765, %dma_start3A_767, %dma_start3A_772] : memref<200x4096x1x64xf32, #tpu.memory_space<hbm>> -> memref<1x128x1x64xf32, #tpu.memory_space<hbm>>
      %dma_start3A_774 = tpu.memref_squeeze %dma_start3A_773 : memref<1x128x1x64xf32, #tpu.memory_space<hbm>> -> memref<128x64xf32, #tpu.memory_space<hbm>>
      %dma_start3A_775 = arith.constant 0 : i32
      %dma_start3A_776 = tpu.memref_slice %arg4[%select_n3A_762, %sub3A_765, %dma_start3A_767, %dma_start3A_775] : memref<200x4096x1x64xf32, #tpu.memory_space<hbm>> -> memref<1x128x1x64xf32, #tpu.memory_space<hbm>>
      %dma_start3A_777 = tpu.memref_squeeze %dma_start3A_776 : memref<1x128x1x64xf32, #tpu.memory_space<hbm>> -> memref<128x64xf32, #tpu.memory_space<hbm>>
      %dma_start3A_778 = arith.constant 0 : i32
      %dma_start3A_779 = arith.constant 0 : i32
      %dma_start3A_780 = tpu.memref_slice %arg6[%dma_start3A_766, %dma_start3A_778, %dma_start3A_779] : memref<8x128x64xf32, #tpu.memory_space<vmem>> -> memref<1x128x64xf32, #tpu.memory_space<vmem>>
      %dma_start3A_781 = tpu.memref_squeeze %dma_start3A_780 : memref<1x128x64xf32, #tpu.memory_space<vmem>> -> memref<128x64xf32, #tpu.memory_space<vmem>>
      tpu.enqueue_dma source(%dma_start3A_781 : memref<128x64xf32, #tpu.memory_space<vmem>>) target(%dma_start3A_777 : memref<128x64xf32, #tpu.memory_space<hbm>>) target_semaphore(%arg22 : memref<!tpu.dma_semaphore, #tpu.memory_space<semaphore_mem>>)
      %dma_wait3A_782 = arith.constant 6 : i32
      %dma_wait3A_783 = arith.constant 0 : i32
      %dma_wait3A_784 = arith.constant 0 : i32
      %dma_wait3A_785 = arith.constant 0 : i32
      %dma_wait3A_786 = arith.constant 0 : i32
      %dma_wait3A_787 = tpu.memref_slice %arg6[%dma_wait3A_782, %dma_wait3A_785, %dma_wait3A_786] : memref<8x128x64xf32, #tpu.memory_space<vmem>> -> memref<1x128x64xf32, #tpu.memory_space<vmem>>
      %dma_wait3A_788 = tpu.memref_squeeze %dma_wait3A_787 : memref<1x128x64xf32, #tpu.memory_space<vmem>> -> memref<128x64xf32, #tpu.memory_space<vmem>>
      %dma_wait3A_789 = arith.constant 0 : i32
      %dma_wait3A_790 = arith.constant 0 : i32
      %dma_wait3A_791 = tpu.memref_slice %arg4[%dma_wait3A_783, %dma_wait3A_789, %dma_wait3A_784, %dma_wait3A_790] : memref<200x4096x1x64xf32, #tpu.memory_space<hbm>> -> memref<1x128x1x64xf32, #tpu.memory_space<hbm>>
      %dma_wait3A_792 = tpu.memref_squeeze %dma_wait3A_791 : memref<1x128x1x64xf32, #tpu.memory_space<hbm>> -> memref<128x64xf32, #tpu.memory_space<hbm>>
      %dma_wait3A_793 = arith.constant 0 : i32
      %dma_wait3A_794 = arith.constant 0 : i32
      %dma_wait3A_795 = tpu.memref_slice %arg4[%dma_wait3A_783, %dma_wait3A_793, %dma_wait3A_784, %dma_wait3A_794] : memref<200x4096x1x64xf32, #tpu.memory_space<hbm>> -> memref<1x128x1x64xf32, #tpu.memory_space<hbm>>
      %dma_wait3A_796 = tpu.memref_squeeze %dma_wait3A_795 : memref<1x128x1x64xf32, #tpu.memory_space<hbm>> -> memref<128x64xf32, #tpu.memory_space<hbm>>
      %dma_wait3A_797 = arith.constant 0 : i32
      %dma_wait3A_798 = arith.constant 0 : i32
      %dma_wait3A_799 = tpu.memref_slice %arg6[%dma_wait3A_782, %dma_wait3A_797, %dma_wait3A_798] : memref<8x128x64xf32, #tpu.memory_space<vmem>> -> memref<1x128x64xf32, #tpu.memory_space<vmem>>
      %dma_wait3A_800 = tpu.memref_squeeze %dma_wait3A_799 : memref<1x128x64xf32, #tpu.memory_space<vmem>> -> memref<128x64xf32, #tpu.memory_space<vmem>>
      tpu.wait_dma2 semaphore(%arg21 : memref<!tpu.dma_semaphore, #tpu.memory_space<semaphore_mem>>) src(%dma_wait3A_800 : memref<128x64xf32, #tpu.memory_space<vmem>>) dst(%dma_wait3A_796 : memref<128x64xf32, #tpu.memory_space<hbm>>)
      %add3A_801 = arith.constant 8 : i32
      %add3A_802 = arith.addi %add3A_723, %add3A_801 : i32
      %sub3A_803 = arith.constant 1 : i32
      %sub3A_804 = arith.subi %add3A_802, %sub3A_803 : i32
      %lt3A_805 = arith.constant 200 : i32
      %lt3A_806 = arith.cmpi slt, %sub3A_804, %lt3A_805 : i32
      %convert_element_type3A_807 = arith.extui %lt3A_806 : i1 to i32
      %cond3A_808 = arith.constant 0 : i32
      %cond3A_809 = arith.cmpi ne, %convert_element_type3A_807, %cond3A_808 : i32
      scf.if %cond3A_809 {
        %add3A_810 = arith.constant 8 : i32
        %add3A_811 = arith.addi %add3A_723, %add3A_810 : i32
        %sub3A_812 = arith.constant 1 : i32
        %sub3A_813 = arith.subi %add3A_811, %sub3A_812 : i32
        %dma_start3A_814 = arith.constant 6 : i32
        %dma_start3A_815 = arith.constant 0 : i32
        %dma_start3A_816 = arith.constant 0 : i32
        %dma_start3A_817 = tpu.memref_slice %arg6[%dma_start3A_814, %dma_start3A_815, %dma_start3A_816] : memref<8x128x64xf32, #tpu.memory_space<vmem>> -> memref<1x128x64xf32, #tpu.memory_space<vmem>>
        %dma_start3A_818 = tpu.memref_squeeze %dma_start3A_817 : memref<1x128x64xf32, #tpu.memory_space<vmem>> -> memref<128x64xf32, #tpu.memory_space<vmem>>
        %dma_start3A_819 = arith.constant 0 : i32
        %dma_start3A_820 = tpu.memref_slice %arg5[%sub3A_813, %dma_start3A_819] : memref<200x128xi32, #tpu.memory_space<vmem>> -> memref<1x128xi32, #tpu.memory_space<vmem>>
        %dma_start3A_821 = tpu.memref_squeeze %dma_start3A_820 : memref<1x128xi32, #tpu.memory_space<vmem>> -> memref<128xi32, #tpu.memory_space<vmem>>
        %dma_start3A_822 = arith.constant 0 : i32
        %dma_start3A_823 = arith.constant 0 : i32
        %dma_start3A_824 = tpu.memref_slice %arg2[%dma_start3A_822, %dma_start3A_823] : memref<1000000x64xf32, #tpu.memory_space<hbm>> -> memref<1000000x64xf32, #tpu.memory_space<hbm>>
        tpu.enqueue_indirect_dma source(%dma_start3A_824 : memref<1000000x64xf32, #tpu.memory_space<hbm>>) target(%dma_start3A_818 : memref<128x64xf32, #tpu.memory_space<vmem>>) offsets(%dma_start3A_821 : memref<128xi32, #tpu.memory_space<vmem>>) semaphore(%arg13 : memref<!tpu.dma_semaphore, #tpu.memory_space<semaphore_mem>>)
      } else {
      }
    }
    %scan3A_90 = arith.constant 25 : i32
    %dma_wait3A = arith.constant 7 : i32
    %dma_wait3A_91 = arith.constant 0 : i32
    %dma_wait3A_92 = arith.constant 0 : i32
    %dma_wait3A_93 = arith.constant 0 : i32
    %dma_wait3A_94 = arith.constant 0 : i32
    %dma_wait3A_95 = tpu.memref_slice %arg6[%dma_wait3A, %dma_wait3A_93, %dma_wait3A_94] : memref<8x128x64xf32, #tpu.memory_space<vmem>> -> memref<1x128x64xf32, #tpu.memory_space<vmem>>
    %dma_wait3A_96 = tpu.memref_squeeze %dma_wait3A_95 : memref<1x128x64xf32, #tpu.memory_space<vmem>> -> memref<128x64xf32, #tpu.memory_space<vmem>>
    %dma_wait3A_97 = arith.constant 0 : i32
    %dma_wait3A_98 = arith.constant 0 : i32
    %dma_wait3A_99 = tpu.memref_slice %arg4[%dma_wait3A_91, %dma_wait3A_97, %dma_wait3A_92, %dma_wait3A_98] : memref<200x4096x1x64xf32, #tpu.memory_space<hbm>> -> memref<1x128x1x64xf32, #tpu.memory_space<hbm>>
    %dma_wait3A_100 = tpu.memref_squeeze %dma_wait3A_99 : memref<1x128x1x64xf32, #tpu.memory_space<hbm>> -> memref<128x64xf32, #tpu.memory_space<hbm>>
    %dma_wait3A_101 = arith.constant 0 : i32
    %dma_wait3A_102 = arith.constant 0 : i32
    %dma_wait3A_103 = tpu.memref_slice %arg4[%dma_wait3A_91, %dma_wait3A_101, %dma_wait3A_92, %dma_wait3A_102] : memref<200x4096x1x64xf32, #tpu.memory_space<hbm>> -> memref<1x128x1x64xf32, #tpu.memory_space<hbm>>
    %dma_wait3A_104 = tpu.memref_squeeze %dma_wait3A_103 : memref<1x128x1x64xf32, #tpu.memory_space<hbm>> -> memref<128x64xf32, #tpu.memory_space<hbm>>
    %dma_wait3A_105 = arith.constant 0 : i32
    %dma_wait3A_106 = arith.constant 0 : i32
    %dma_wait3A_107 = tpu.memref_slice %arg6[%dma_wait3A, %dma_wait3A_105, %dma_wait3A_106] : memref<8x128x64xf32, #tpu.memory_space<vmem>> -> memref<1x128x64xf32, #tpu.memory_space<vmem>>
    %dma_wait3A_108 = tpu.memref_squeeze %dma_wait3A_107 : memref<1x128x64xf32, #tpu.memory_space<vmem>> -> memref<128x64xf32, #tpu.memory_space<vmem>>
    tpu.wait_dma2 semaphore(%arg22 : memref<!tpu.dma_semaphore, #tpu.memory_space<semaphore_mem>>) src(%dma_wait3A_108 : memref<128x64xf32, #tpu.memory_space<vmem>>) dst(%dma_wait3A_104 : memref<128x64xf32, #tpu.memory_space<hbm>>)
    return
  }
}

</mosaic_0001>

<sc_bundles>
// kernel: _sc_gather.3.cloned.1.call-start
scs
__scs_entry_jumppad:
0x0: {  	(pc) =	sbr.rel $0x88, $3  }
0x1: {  	(tag) =	ssettag $0x0;
	lr =	simm.s32 $0x1  }
0x2: {  	[smem:$0x3F9F] =	sst lr;
	_ =	strace $0xD0000000  }
0x3: {  	_ = 	snop  }
0x4: {  	_ = 	snop  }
0x5: {  	_ = 	snop  }
0x6: {  	_ = 	snop  }
0x7: {  	_ = 	snop  }
__scs_overlays_trampoline_lowered:
0x8: {  	[smem:$0x3FAE] =	sst s0  }
0x9: {  	[smem:$0x3FAF] =	sst s1  }
0xa: {  	[smem:$0x3FB0] =	sst s2  }
0xb: {  	[smem:$0x3FB1] =	sst s3  }
0xc: {  	[smem:$0x3FB2] =	sst s4  }
0xd: {  	[smem:$0x3FB3] =	sst s5  }
0xe: {  	[smem:$0x3FB4] =	sst s6  }
0xf: {  	[smem:$0x3FB5] =	sst s7  }
0x10: {  	[smem:$0x3FB6] =	sst s8  }
0x11: {  	[smem:$0x3FB7] =	sst s9;
	s0 =	simm.s32 @!p0 $0x0  }
0x12: {  	s1 =	sld [smem:$0x3F9D];
	s0 =	simm.s32 @p0 $0x1  }
0x13: {  	[smem:$0x3FB8] =	sst s0;
	s0 =	simm.s32 @!p1 $0x0  }
0x14: {  	s2 =	sld [smem:$0x3F9C];
	s0 =	simm.s32 @p1 $0x1  }
0x15: {  	[smem:$0x3FB9] =	sst s0;
	s0 =	simm.s32 @!p2 $0x0  }
0x16: {  	s3 =	sld [smem:$0x3FDB];
	s0 =	simm.s32 @p2 $0x1  }
0x17: {  	s4 =	simm.s32 $0x1BF5;
	[smem:$0x3FBB] =	sst s0  }
0x18: {  	s0 =	sld [smem:$0x3F9E];
	_ =	swait.ge [sflag:s4], $0x0  }
0x19: {  	s7 =	sld [smem:$0x3F9F]  }
0x1a: {  	s8 =	sadd.s32 $0xFFFFE003, lr  }
0x1b: {  	s9 =	sadd.s32 $0xFFFFFEF7, lr;
	s5 =	simm.s32 $0xFFFFFFFF;
	p2 =	slt.u32 s8, $0xFFFFF086  }
0x1c: {  	p1 =	slt.u32 s9, $0xF7A;
	s5 =	simm.s32 @!p2 $0x0  }
0x1d: {  	s5 =	simm.s32 @p1 $0x1;
	p0 =	seq.s32 s7, s2  }
0x1e: {  	s7 =	smul.u32 @!p0 $0xF7A, s2;
	p2 =	seq.s32 @!p0 s5, $0x0  }
0x1f: {  	s9 =	smul.u32 $0xF7A, s1;
	s8 =	simm.s32 @!p0 $0x1BF5;
	p2 =	por !p2, p0  }
0x20: {  	[sflag:s8] =	ssyncset.s32 @!p0 $0xFFFFF086;
	s6 =	sadd.s32 @!p0 s3, s7;
	s7 =	simm.s32 @!p0 $0x108  }
0x21: {  	s3 =	sadd.s32 s3, s9;
	s6 =	sadd.s32 @!p0 $0x88, s6;
	s7 =	simm.s32 @p2 $0x1082  }
0x22: {  	[simem:s7], [sflag:s8] =	dma.local @!p0 [hbm:s6], $0xF7A  }
0x23: {  	s9 =	sor.u32 $0xD0000000, s2;
	s6 =	simm.s32 $0x108;
	_ =	swait.ge @!p0 [sflag:s8], $0x0  }
0x24: {  	s3 =	sadd.s32 $0x88, s3;
	s6 =	simm.s32 @!p1 $0x1082;
	[sflag:s4] =	ssyncset.s32 $0xFFFFF086  }
0x25: {  	[simem:s6], [sflag:s4] =	dma.local [hbm:s3], $0xF7A  }
0x26: {  	[smem:$0x3F9F] =	sst s1;
	(tag) =	ssettag s2;
	_ =	strace s9  }
0x27: {  	s1 =	sld [smem:$0x3FAF]  }
0x28: {  	s2 =	sld [smem:$0x3FB0]  }
0x29: {  	s4 =	sld [smem:$0x3FB2]  }
0x2a: {  	p0 =	seq.s32 s5, $0x0;
	s5 =	sld [smem:$0x3FB3]  }
0x2b: {  	s6 =	sld [smem:$0x3FB4]  }
0x2c: {  	s7 =	sld [smem:$0x3FB5]  }
0x2d: {  	s3 =	simm.s32 $0x108;
	s8 =	sld [smem:$0x3FB6]  }
0x2e: {  	s3 =	simm.s32 @!p0 $0x1082;
	s9 =	sld [smem:$0x3FB7]  }
0x2f: {  	lr =	sadd.s32 s0, s3;
	s0 =	sld [smem:$0x3FAE]  }
0x30: {  	s3 =	sld [smem:$0x3FB1]  }
0x31: {  	[smem:$0x3FBA] =	sst s10  }
0x32: {  	s10 =	sld [smem:$0x3FB8];
	_ =	sdelay $0x3  }
0x33: {  	p0 =	seq.s32 s10, $0x1;
	s10 =	sld [smem:$0x3FBA];
	_ =	sdelay $0x3  }
0x34: {  	[smem:$0x3FBA] =	sst s10  }
0x35: {  	s10 =	sld [smem:$0x3FB9];
	_ =	sdelay $0x3  }
0x36: {  	p1 =	seq.s32 s10, $0x1;
	s10 =	sld [smem:$0x3FBA];
	_ =	sdelay $0x3  }
0x37: {  	[smem:$0x3FBA] =	sst s10  }
0x38: {  	s10 =	sld [smem:$0x3FBB]  }
0x39: {  	_ = 	snop;
	(pc) =	sbr.ind lr, $3  }
0x3a: {  	_ = 	snop  }
0x3b: {  	_ = 	snop  }
0x3c: {  	p2 =	seq.s32 s10, $0x1;
	s10 =	sld [smem:$0x3FBA]  }
0x3d: {  	_ =	shalt  }
0x3e: {  	_ =	shalt  }
0x3f: {  	_ =	shalt  }
0x40: {  	_ =	shalt  }
0x41: {  	_ =	shalt  }
0x42: {  	_ =	shalt  }
0x43: {  	_ =	shalt  }
0x44: {  	_ =	shalt  }
0x45: {  	_ =	shalt  }
0x46: {  	_ =	shalt  }
0x47: {  	_ =	shalt  }
0x48: {  	_ =	shalt  }
0x49: {  	_ =	shalt  }
0x4a: {  	_ =	shalt  }
0x4b: {  	_ =	shalt  }
0x4c: {  	_ =	shalt  }
0x4d: {  	_ =	shalt  }
0x4e: {  	_ =	shalt  }
0x4f: {  	_ =	shalt  }
0x50: {  	_ =	shalt  }
0x51: {  	_ =	shalt  }
0x52: {  	_ =	shalt  }
0x53: {  	_ =	shalt  }
0x54: {  	_ =	shalt  }
0x55: {  	_ =	shalt  }
0x56: {  	_ =	shalt  }
0x57: {  	_ =	shalt  }
0x58: {  	_ =	shalt  }
0x59: {  	_ =	shalt  }
0x5a: {  	_ =	shalt  }
0x5b: {  	_ =	shalt  }
0x5c: {  	_ =	shalt  }
0x5d: {  	_ =	shalt  }
0x5e: {  	_ =	shalt  }
0x5f: {  	_ =	shalt  }
0x60: {  	_ =	shalt  }
0x61: {  	_ =	shalt  }
0x62: {  	_ =	shalt  }
0x63: {  	_ =	shalt  }
0x64: {  	_ =	shalt  }
0x65: {  	_ =	shalt  }
0x66: {  	_ =	shalt  }
0x67: {  	_ =	shalt  }
0x68: {  	_ =	shalt  }
0x69: {  	_ =	shalt  }
0x6a: {  	_ =	shalt  }
0x6b: {  	_ =	shalt  }
0x6c: {  	_ =	shalt  }
0x6d: {  	_ =	shalt  }
0x6e: {  	_ =	shalt  }
0x6f: {  	_ =	shalt  }
0x70: {  	_ =	shalt  }
0x71: {  	_ =	shalt  }
0x72: {  	_ =	shalt  }
0x73: {  	_ =	shalt  }
0x74: {  	_ =	shalt  }
0x75: {  	_ =	shalt  }
0x76: {  	_ =	shalt  }
0x77: {  	_ =	shalt  }
0x78: {  	_ =	shalt  }
0x79: {  	_ =	shalt  }
0x7a: {  	_ =	shalt  }
0x7b: {  	_ =	shalt  }
0x7c: {  	_ =	shalt  }
0x7d: {  	_ =	shalt  }
0x7e: {  	_ =	shalt  }
0x7f: {  	_ =	shalt  }
0x80: {  	_ =	shalt  }
0x81: {  	_ =	shalt  }
0x82: {  	_ =	shalt  }
0x83: {  	_ =	shalt  }
0x84: {  	_ =	shalt  }
0x85: {  	_ =	shalt  }
0x86: {  	_ =	shalt  }
0x87: {  	_ =	shalt  }
.Lfunc_end0:
.L_simem_size_0:
called_computation.1_lowered:
.L_overlay_start_0:
0x88: {  	s2 =	sld [smem:$0x3FD9]  }
0x89: {  	s3 =	sld [smem:$0x3FFE];
	_ =	sdelay $0x1  }
0x8a: {  	s1 =	srdreg.scid  }
0x8b: {  	s0 =	sand.u32 $0x1, s1  }
0x8c: {  	s17 =	sshll.u32 s0, $0xA;
	s2 =	sadd.s32 s3, s2  }
0x8d: {  	s2 =	sadd.s32 s2, s17  }
0x8e: {  	[smem:$0x3FC6] =	sst s2  }
0x8f: {  	_ = 	snop  }
0x90: {  	s2 =	sld [smem:$0x3FC8]  }
0x91: {  	s18 =	sld [smem:$0x3FD0];
	(tm) =	ssettm $0x1  }
0x92: {  	s4 =	sld [smem:$0x3FFB];
	_ =	sdelay $0x3  }
0x93: {  	_ =	strace s4  }
0x94: {  	s4 =	sld [smem:$0x3FFC];
	_ =	sdelay $0x3  }
0x95: {  	_ =	strace s4  }
0x96: {  	s4 =	sld [smem:$0x3FFD];
	_ =	sdelay $0x3  }
0x97: {  	_ =	strace s4  }
0x98: {  	_ =	strace $0x8FFFFFFF  }
0x99: {  	s19 =	sld [smem:$0x3FDB];
	_ =	sdelay $0x1  }
0x9a: {  	s5 =	simm.s32 $_scs_section_size  }
0x9b: {  	s6 =	simm.s32 $_size__tile_overlayer_lowered;
	s7 =	simm.s32 $_tile_overlayer_lowered  }
0x9c: {  	s22 =	simm.s32 $0x1BFF;
	s21 =	sshll.u32 s7, $0x1;
	s4 =	sadd.s32 s5, s19  }
0x9d: {  	s8 =	simm.s32 $0x0;
	s20 =	sshll.u32 s6, $0x1;
	s6 =	sadd.s32 s21, s4  }
0x9e: {  	[timem:s8], [sflag:s22] =	dma.local [hbm:s6], s20  }
0x9f: {  	_ =	swait.ge [sflag:s22], s20  }
0xa0: {  	s5 =	ssub.s32 $0x0, s20;
	[sflag:s22] =	ssyncset.done $0x0  }
0xa1: {  	[sflag:s22] =	ssyncadd.s32 s5;
	_ =	sdelay $0x1  }
0xa2: {  	s23 =	simm.s32 $0x1B8B  }
0xa3: {  	_ =	swait.ge [sflag:s23], $0x1  }
0xa4: {  	[sflag:s23] =	ssyncset.done $0x0  }
0xa5: {  	s25 =	simm.s32 $0x1B8E;
	s24 =	sld [smem:$0x3FFE];
	[sflag:s23] =	ssyncadd.s32 $0xFFFFFFFF  }
0xa6: {  	s26 =	simm.s32 $execute0_lowered;
	[smem:$0x3FD2] =	sst s25  }
0xa7: {  	s6 =	sshll.u32 s26, $0x1;
	_ =	strace $0x80000046;
	[dreg:$0x1] =	wrdreg $0xFFFFFFFF  }
0xa8: {  	s28 =	simm.s32 $_size_execute0_lowered;
	s4 =	sadd.s32 s4, s6;
	[dreg:$0x0] =	wrdreg $0x0  }
0xa9: {  	s6 =	sshll.u32 s28, $0x1;
	[dreg:$0x2] =	wrdreg s4  }
0xaa: {  	[dreg:$0x3] =	wrdreg s6  }
0xab: {  	[dreg:$0x4] =	wrdreg $0xC0  }
0xac: {  	_ =	task [dreg:s8], $0x5FFFF  }
0xad: {  	[dreg:$0x1] =	wrdreg $0xFFFFFFFF  }
0xae: {  	[dreg:$0x0] =	wrdreg $0x60  }
0xaf: {  	[dreg:$0x2] =	wrdreg s24  }
0xb0: {  	[dreg:$0x3] =	wrdreg s2  }
0xb1: {  	[dreg:$0x4] =	wrdreg s18  }
0xb2: {  	[dreg:$0x5] =	wrdreg $0x9  }
0xb3: {  	_ =	task.clear_ibuf [dreg:s8], $0x6FFFF;
	_ =	strace $0x90000046  }
0xb4: {  	s29 =	simm.s32 $0x9;
	_ =	strace $0x80000048  }
0xb5: {  	_ =	swait.ge [sflag:s29], $0x1  }
0xb6: {  	[sflag:s29] =	ssyncadd.s32 $0xFFFFFFFF  }
0xb7: {  	_ =	strace $0x90000048  }
0xb8: {  	_ =	sfence  }
0xb9: {  	s30 =	sld [smem:$0x0];
	_ =	sdelay $0x2  }
0xba: {  	s31 =	sshll.u32 s1, $0xD;
	s1 =	sshrl.u32 s1, $0x2  }
0xbb: {  	s3 =	sand.u32 $0x4000, s31;
	s1 =	sadd.s32 s1, s30  }
0xbc: {  	s0 =	sor.u32 s3, s0;
	s1 =	sshll.u32 s1, $0x11  }
0xbd: {  	s0 =	sor.u32 s1, s0  }
0xbe: {  	s0 =	sadd.s32 $0x8F2B, s0  }
0xbf: {  	[sflag:s0] =	ssyncadd.remote.s32 $0x1  }
0xc0: {  	_ =	sfence.sel $0xFFFF  }
0xc1: {  	[dreg:$0x0] =	wrdreg $0xFFFFFFFF;
	(pc) =	sbr.abs _section_cstart, $3  }
0xc2: {  	[dreg:$0x1] =	wrdreg $0xFFFFFFFF  }
0xc3: {  	_ =	task.clear_ibuf [dreg:s8], $0x2FFFF;
	_ =	strace $0x9FFFFFFF  }
0xc4: {  	(tm) =	ssettm $0x7FFFFFFF  }
0xc5: {  	_ =	shalt  }
tec
execute0_lowered:
.L_overlay_start_1:
0x0: {  	(tag) =	ssettag $0x1  }
0x1: {  	s0 =	rddreg [dreg:$0x0]  }
0x2: {  	s1 =	rddreg [dreg:$0x1]  }
0x3: {  	s4 =	rddreg [dreg:$0x2];
	s3 =	srdreg.scid  }
0x4: {  	s8 =	stileid.u32;
	s2 =	simm.s32 $0x0;
	s12 =	simm.s32 $0xA400  }
0x5: {  	s14 =	simm.s32 $0xC400;
	s16 =	simm.s32 $0xE400;
	s18 =	simm.s32 $0x10400  }
0x6: {  	s20 =	simm.s32 $0x12400;
	s21 =	simm.s32 $0x1;
	s22 =	simm.s32 $0x14400  }
0x7: {  	s28 =	simm.s32 $0x4;
	s29 =	simm.s32 $0xB;
	s30 =	simm.s32 $0x5  }
0x8: {  	s31 =	simm.s32 $0xC;
	s11 =	simm.s32 $0x7;
	s13 =	simm.s32 $0xE  }
0x9: {  	s15 =	simm.s32 $0x8;
	s17 =	simm.s32 $0xF;
	s5 =	sand.u32 $0x1, s3  }
0xa: {  	s23 =	sshll.u32 s8, $0x1;
	[smem:$0x7FF] =	sst s2;
	s8 =	smul.u32 $0x64000, s8  }
0xb: {  	s3 =	sor.u32 s5, s23;
	s6 =	ssub.s32 $0x2, s5;
	s5 =	smul.u32 $0x32000, s5  }
0xc: {  	_ =	strace $0x80000047;
	s23 =	simm.s32 $0x2;
	s7 =	smul.u32 $0x6400, s3  }
0xd: {  	s3 =	sadd.s32 $0xF42C00, s0;
	s24 =	sshrl.u32 s6, $0x1;
	s26 =	sadd.s32 s8, s4  }
.Ltmp0:
0xe: {  	s8 =	simm.s32 $0x80;
	s0 =	ssub.s32 s6, s24;
	(pc) =	sbr.rel .LBB2_1-.Ltmp0, $4  }
0xf: {  	s6 =	sadd.s32 s5, s26;
	s24 =	simm.s32 $0x9;
	s26 =	simm.s32 $0xA  }
0x10: {  	s25 =	sshrl.u32 s7, $0x3;
	s0 =	smax.u32 s0, $0x1;
	s7 =	simm.s32 $0x0  }
0x11: {  	s1 =	sadd.s32 s1, s25;
	[dreg:$0x5] =	wrdreg s0;
	s25 =	simm.s32 $0x3  }
0x12: {  	s0 =	simm.s32 $0x6;
	[dreg:$0x4] =	wrdreg s1;
	s1 =	simm.s32 $0xD  }
.LBB2_4:
0x13: {  	s5 =	simm.s32 $0x10  }
0x14: {  	_ =	swait.ge [sflag:s5], $0x2000  }
0x15: {  	s7 =	rddreg [dreg:$0x6]  }
0x16: {  	s4 =	rddreg [dreg:$0x5];
	s7 =	sadd.s32 $0x1, s7  }
0x17: {  	p0 =	sne.s32 s7, s4  }
.Ltmp1:
0x18: {  	_ = 	snop;
	(pc) =	sbr.rel @!p0 .LBB2_5-.Ltmp1, $3  }
0x19: {  	_ =	sdelay $0x1  }
0x1a: {  	[sflag:s5] =	ssyncset.done $0x0  }
0x1b: {  	[sflag:s5] =	ssyncadd.s32 $0xFFFFE000  }
.LBB2_1:
0x1c: {  	[dreg:$0x6] =	wrdreg s7  }
0x1d: {  	s4 =	rddreg [dreg:$0x4];
	s9 =	simm.s32 $0x11  }
0x1e: {  	[tilespmem:s2], [sflag:$0x11] =	stream.linear.gather [hbm4b:s4+s2], $0x6400, $0x38;
	[tilespmem:$0x16400] =	vst v63  }
0x1f: {  	_ =	swait.ge [sflag:s9], $0x6400  }
0x20: {  	[sflag:s9] =	ssyncset.done $0x0  }
0x21: {  	s10 =	simm.s32 $0x6400;
	[sflag:s9] =	ssyncadd.s32 $0xFFFF9C00  }
0x22: {  	[tilespmem:s10], [sflag:$0x1] =	stream.indirect.gather [hbm4b:s3+s8], $0x40, s2, s8, $0xb8;
	[tilespmem:$0x16400] =	vst v63  }
0x23: {  	s19 =	simm.s32 $0x8400  }
0x24: {  	[tilespmem:s19], [sflag:$0x2] =	stream.indirect.gather [hbm4b:s3+s8], $0x40, s8, s8, $0xb8;
	[tilespmem:$0x16400] =	vst v63  }
0x25: {  	s5 =	simm.s32 $0x100  }
0x26: {  	[tilespmem:s12], [sflag:$0x3] =	stream.indirect.gather [hbm4b:s3+s8], $0x40, s5, s8, $0xb8;
	[tilespmem:$0x16400] =	vst v63  }
0x27: {  	s7 =	simm.s32 $0x180  }
0x28: {  	[tilespmem:s14], [sflag:$0x4] =	stream.indirect.gather [hbm4b:s3+s8], $0x40, s7, s8, $0xb8;
	[tilespmem:$0x16400] =	vst v63  }
0x29: {  	s9 =	simm.s32 $0x200  }
0x2a: {  	[tilespmem:s16], [sflag:$0x5] =	stream.indirect.gather [hbm4b:s3+s8], $0x40, s9, s8, $0xb8;
	[tilespmem:$0x16400] =	vst v63  }
0x2b: {  	s10 =	simm.s32 $0x280  }
0x2c: {  	[tilespmem:s18], [sflag:$0x6] =	stream.indirect.gather [hbm4b:s3+s8], $0x40, s10, s8, $0xb8;
	[tilespmem:$0x16400] =	vst v63  }
0x2d: {  	s19 =	simm.s32 $0x300;
	s5 =	simm.s32 $0x380;
	s7 =	simm.s32 $0x0  }
0x2e: {  	[tilespmem:s20], [sflag:$0x7] =	stream.indirect.gather [hbm4b:s3+s8], $0x40, s19, s8, $0xb8;
	[tilespmem:$0x16400] =	vst v63  }
.LBB2_2:
0x2f: {  	_ =	swait.ge [sflag:s21], $0x2000  }
0x30: {  	s19 =	sadd.s32 s7, s6;
	[sflag:s21] =	ssyncset.done $0x0  }
0x31: {  	s4 =	simm.s32 $0x6400;
	p0 =	seq.s32 s7, $0x0;
	[sflag:s21] =	ssyncadd.s32 $0xFFFFE000  }
0x32: {  	[hbm4b:s19+s2] =	stream.linear.scatter [tilespmem:s4], [sflag:$0x9], $0x2000, $0x38;
	[tilespmem:$0x16400] =	vst v63  }
0x33: {  	s4 =	simm.s32 @!p0 $0x10  }
0x34: {  	_ =	swait.ge @!p0 [sflag:s4], $0x2000  }
0x35: {  	[sflag:s4] =	ssyncset.done @!p0 $0x0  }
0x36: {  	[sflag:s4] =	ssyncadd.s32 @!p0 $0xFFFFE000  }
0x37: {  	[tilespmem:s22], [sflag:$0x8] =	stream.indirect.gather [hbm4b:s3+s8], $0x40, s5, s8, $0xb8;
	[tilespmem:$0x16400] =	vst v63  }
0x38: {  	_ =	swait.ge [sflag:s23], $0x2000  }
0x39: {  	[sflag:s23] =	ssyncset.done $0x0  }
0x3a: {  	s9 =	simm.s32 $0x8400;
	s10 =	sadd.s32 $0x400, s19;
	[sflag:s23] =	ssyncadd.s32 $0xFFFFE000  }
0x3b: {  	[hbm4b:s10+s2] =	stream.linear.scatter [tilespmem:s9], [sflag:$0xA], $0x2000, $0x38;
	[tilespmem:$0x16400] =	vst v63  }
0x3c: {  	p0 =	seq.s32 s7, $0x30000;
	_ =	swait.ge [sflag:s24], $0x2000  }
0x3d: {  	s4 =	sadd.s32 @!p0 $0x80, s5;
	[sflag:s24] =	ssyncset.done $0x0  }
0x3e: {  	s9 =	simm.s32 @!p0 $0x80;
	s10 =	simm.s32 @!p0 $0x6400;
	[sflag:s24] =	ssyncadd.s32 $0xFFFFE000  }
0x3f: {  	[tilespmem:s10], [sflag:$0x1] =	stream.indirect.gather @!p0 [hbm4b:s3+s9], $0x40, s4, s9, $0xb8;
	[tilespmem:$0x16400] =	vst v63  }
0x40: {  	_ =	swait.ge [sflag:s25], $0x2000  }
0x41: {  	[sflag:s25] =	ssyncset.done $0x0  }
0x42: {  	s10 =	sadd.s32 $0x800, s19;
	[sflag:s25] =	ssyncadd.s32 $0xFFFFE000  }
0x43: {  	[hbm4b:s10+s2] =	stream.linear.scatter [tilespmem:s12], [sflag:$0xB], $0x2000, $0x38;
	[tilespmem:$0x16400] =	vst v63  }
0x44: {  	_ =	swait.ge [sflag:s26], $0x2000  }
0x45: {  	[sflag:s26] =	ssyncset.done $0x0  }
0x46: {  	s4 =	sadd.s32 @!p0 $0x100, s5;
	s10 =	simm.s32 @!p0 $0x8400;
	[sflag:s26] =	ssyncadd.s32 $0xFFFFE000  }
0x47: {  	[tilespmem:s10], [sflag:$0x2] =	stream.indirect.gather @!p0 [hbm4b:s3+s9], $0x40, s4, s9, $0xb8;
	[tilespmem:$0x16400] =	vst v63  }
0x48: {  	_ =	swait.ge [sflag:s28], $0x2000  }
0x49: {  	[sflag:s28] =	ssyncset.done $0x0  }
0x4a: {  	s10 =	sadd.s32 $0xC00, s19;
	[sflag:s28] =	ssyncadd.s32 $0xFFFFE000  }
0x4b: {  	[hbm4b:s10+s2] =	stream.linear.scatter [tilespmem:s14], [sflag:$0xC], $0x2000, $0x38;
	[tilespmem:$0x16400] =	vst v63  }
0x4c: {  	_ =	swait.ge [sflag:s29], $0x2000  }
0x4d: {  	[sflag:s29] =	ssyncset.done $0x0  }
0x4e: {  	s4 =	sadd.s32 @!p0 $0x180, s5;
	s10 =	simm.s32 @!p0 $0xA400;
	[sflag:s29] =	ssyncadd.s32 $0xFFFFE000  }
0x4f: {  	[tilespmem:s10], [sflag:$0x3] =	stream.indirect.gather @!p0 [hbm4b:s3+s9], $0x40, s4, s9, $0xb8;
	[tilespmem:$0x16400] =	vst v63  }
0x50: {  	_ =	swait.ge [sflag:s30], $0x2000  }
0x51: {  	[sflag:s30] =	ssyncset.done $0x0  }
0x52: {  	s10 =	sadd.s32 $0x1000, s19;
	[sflag:s30] =	ssyncadd.s32 $0xFFFFE000  }
0x53: {  	[hbm4b:s10+s2] =	stream.linear.scatter [tilespmem:s16], [sflag:$0xD], $0x2000, $0x38;
	[tilespmem:$0x16400] =	vst v63  }
0x54: {  	_ =	swait.ge [sflag:s31], $0x2000  }
0x55: {  	[sflag:s31] =	ssyncset.done $0x0  }
0x56: {  	s4 =	sadd.s32 @!p0 $0x200, s5;
	s10 =	simm.s32 @!p0 $0xC400;
	[sflag:s31] =	ssyncadd.s32 $0xFFFFE000  }
0x57: {  	[tilespmem:s10], [sflag:$0x4] =	stream.indirect.gather @!p0 [hbm4b:s3+s9], $0x40, s4, s9, $0xb8;
	[tilespmem:$0x16400] =	vst v63  }
0x58: {  	_ =	swait.ge [sflag:s0], $0x2000  }
0x59: {  	[sflag:s0] =	ssyncset.done $0x0  }
0x5a: {  	s10 =	sadd.s32 $0x1400, s19;
	[sflag:s0] =	ssyncadd.s32 $0xFFFFE000  }
0x5b: {  	[hbm4b:s10+s2] =	stream.linear.scatter [tilespmem:s18], [sflag:$0xE], $0x2000, $0x38;
	[tilespmem:$0x16400] =	vst v63  }
0x5c: {  	_ =	swait.ge [sflag:s1], $0x2000  }
0x5d: {  	[sflag:s1] =	ssyncset.done $0x0  }
0x5e: {  	s4 =	sadd.s32 @!p0 $0x280, s5;
	s10 =	simm.s32 @!p0 $0xE400;
	[sflag:s1] =	ssyncadd.s32 $0xFFFFE000  }
0x5f: {  	[tilespmem:s10], [sflag:$0x5] =	stream.indirect.gather @!p0 [hbm4b:s3+s9], $0x40, s4, s9, $0xb8;
	[tilespmem:$0x16400] =	vst v63  }
0x60: {  	_ =	swait.ge [sflag:s11], $0x2000  }
0x61: {  	[sflag:s11] =	ssyncset.done $0x0  }
0x62: {  	s10 =	sadd.s32 $0x1800, s19;
	[sflag:s11] =	ssyncadd.s32 $0xFFFFE000  }
0x63: {  	[hbm4b:s10+s2] =	stream.linear.scatter [tilespmem:s20], [sflag:$0xF], $0x2000, $0x38;
	[tilespmem:$0x16400] =	vst v63  }
0x64: {  	_ =	swait.ge [sflag:s13], $0x2000  }
0x65: {  	[sflag:s13] =	ssyncset.done $0x0  }
0x66: {  	s4 =	sadd.s32 @!p0 $0x300, s5;
	s10 =	simm.s32 @!p0 $0x10400;
	[sflag:s13] =	ssyncadd.s32 $0xFFFFE000  }
0x67: {  	[tilespmem:s10], [sflag:$0x6] =	stream.indirect.gather @!p0 [hbm4b:s3+s9], $0x40, s4, s9, $0xb8;
	[tilespmem:$0x16400] =	vst v63  }
0x68: {  	_ =	swait.ge [sflag:s15], $0x2000  }
0x69: {  	[sflag:s15] =	ssyncset.done $0x0  }
.Ltmp2:
0x6a: {  	s19 =	sadd.s32 $0x1C00, s19;
	[sflag:s15] =	ssyncadd.s32 $0xFFFFE000;
	(pc) =	sbr.rel @p0 .LBB2_4-.Ltmp2, $4  }
0x6b: {  	[hbm4b:s19+s2] =	stream.linear.scatter [tilespmem:s22], [sflag:$0x10], $0x2000, $0x38;
	[tilespmem:$0x16400] =	vst v63  }
0x6c: {  	_ =	swait.ge [sflag:s17], $0x2000  }
0x6d: {  	[sflag:s17] =	ssyncset.done $0x0  }
0x6e: {  	[sflag:s17] =	ssyncadd.s32 $0xFFFFE000  }
.Ltmp3:
0x6f: {  	(pc) =	sbr.rel .LBB2_2-.Ltmp3, $3  }
0x70: {  	_ =	sdelay $0x1  }
0x71: {  	s4 =	sadd.s32 $0x380, s5;
	s7 =	sadd.s32 $0x2000, s7;
	s5 =	sadd.s32 $0x400, s5  }
0x72: {  	[tilespmem:s20], [sflag:$0x7] =	stream.indirect.gather [hbm4b:s3+s8], $0x40, s4, s8, $0xb8;
	[tilespmem:$0x16400] =	vst v63  }
.LBB2_5:
0x73: {  	_ =	sfence.sel $0x180000  }
0x74: {  	[bflag:$0x0] =	sbarrier.arrive $0xFFFF  }
0x75: {  	_ =	strace $0x90000047  }
0x76: {  	s0 =	stileid.u32;
	[bflag:$0x2] =	sbarrier.arrive $0xFFFF  }
0x77: {  	p0 =	sne.s32 s0, $0x0;
	s0 =	rddreg [dreg:$0x3]  }
0x78: {  	s0 =	sadd.s32 @!p0 $0x100000, s0  }
0x79: {  	[sflag:s0] =	ssyncadd.tile.s32 @!p0 $0x1;
	_ =	shalt  }
.Lfunc_end2:
_tile_overlayer_lowered:
.L_overlay_start_2:
0x7a: {  	(tag) =	ssettag $0x2  }
0x7b: {  	s0 =	rddreg [dreg:$0x0];
	s2 =	stileid.u32  }
0x7c: {  	s1 =	rddreg [dreg:$0x1];
	p0 =	sne.s32 s2, $0x0  }
0x7d: {  	s3 =	rddreg [dreg:$0x2];
	[bflag:$0x3] =	sbarrier.arrive $0xFFFF;
	s2 =	simm.s32 @!p0 $0x1C11  }
0x7e: {  	[timem:s3], [sflag:s2] =	dma.local @!p0 [hbm:s0], s1  }
0x7f: {  	s0 =	simm.s32 @!p0 $0x11  }
0x80: {  	_ =	swait.ge @!p0 [sflag:s0], s1  }
0x81: {  	s1 =	ssub.s32 @!p0 $0x0, s1;
	[sflag:s0] =	ssyncset.done @!p0 $0x0  }
0x82: {  	[sflag:s0] =	ssyncadd.s32 @!p0 s1  }
0x83: {  	[bflag:$0x3] =	sbarrier.arrive $0xFFFF  }
0x84: {  	_ =	shalt  }

// kernel: sparse-core-data-format-call.cloned.1.call-start
scs
called_computation_lowered:
.L_overlay_start_0:
0x0: {  	s2 =	sld [smem:$0x3FD9]  }
0x1: {  	s3 =	sld [smem:$0x3FFE];
	_ =	sdelay $0x1  }
0x2: {  	s1 =	srdreg.scid  }
0x3: {  	s0 =	sand.u32 $0x1, s1  }
0x4: {  	s18 =	sshll.u32 s0, $0xA;
	s2 =	sadd.s32 s3, s2  }
0x5: {  	s2 =	sadd.s32 s2, s18  }
0x6: {  	[smem:$0x3FC6] =	sst s2  }
0x7: {  	_ = 	snop  }
0x8: {  	s2 =	sld [smem:$0x3FD0];
	(tm) =	ssettm $0x1  }
0x9: {  	s19 =	sld [smem:$0x3FFB];
	_ =	sdelay $0x3  }
0xa: {  	_ =	strace s19  }
0xb: {  	s3 =	sld [smem:$0x3FFC];
	_ =	sdelay $0x3  }
0xc: {  	_ =	strace s3  }
0xd: {  	s3 =	sld [smem:$0x3FFD];
	_ =	sdelay $0x3  }
0xe: {  	_ =	strace s3  }
0xf: {  	_ =	strace $0x8FFFFFFF  }
0x10: {  	s20 =	sld [smem:$0x3FDB];
	_ =	sdelay $0x1  }
0x11: {  	s4 =	simm.s32 $_scs_section_size  }
0x12: {  	s5 =	simm.s32 $_size__tile_overlayer_lowered;
	s6 =	simm.s32 $_tile_overlayer_lowered  }
0x13: {  	s23 =	simm.s32 $0x1BFF;
	s22 =	sshll.u32 s6, $0x1;
	s3 =	sadd.s32 s4, s20  }
0x14: {  	s7 =	simm.s32 $0x0;
	s21 =	sshll.u32 s5, $0x1;
	s5 =	sadd.s32 s22, s3  }
0x15: {  	[timem:s7], [sflag:s23] =	dma.local [hbm:s5], s21  }
0x16: {  	_ =	swait.ge [sflag:s23], s21  }
0x17: {  	s4 =	ssub.s32 $0x0, s21;
	[sflag:s23] =	ssyncset.done $0x0  }
0x18: {  	[sflag:s23] =	ssyncadd.s32 s4;
	_ =	sdelay $0x1  }
0x19: {  	s24 =	simm.s32 $0x1B8B  }
0x1a: {  	_ =	swait.ge [sflag:s24], $0x1  }
0x1b: {  	[sflag:s24] =	ssyncset.done $0x0  }
0x1c: {  	s26 =	simm.s32 $0x1B8E;
	s25 =	sld [smem:$0x3FFE];
	[sflag:s24] =	ssyncadd.s32 $0xFFFFFFFF  }
0x1d: {  	s27 =	simm.s32 $execute0_lowered;
	[smem:$0x3FD2] =	sst s26  }
0x1e: {  	s5 =	sshll.u32 s27, $0x1;
	_ =	strace $0x80000049;
	[dreg:$0x1] =	wrdreg $0xFFFFFFFF  }
0x1f: {  	s28 =	simm.s32 $_size_execute0_lowered;
	s3 =	sadd.s32 s3, s5;
	[dreg:$0x0] =	wrdreg $0x0  }
0x20: {  	s5 =	sshll.u32 s28, $0x1;
	[dreg:$0x2] =	wrdreg s3  }
0x21: {  	[dreg:$0x3] =	wrdreg s5  }
0x22: {  	[dreg:$0x4] =	wrdreg $0xC0  }
0x23: {  	_ =	task [dreg:s7], $0x5FFFF  }
0x24: {  	[dreg:$0x1] =	wrdreg $0xFFFFFFFF  }
0x25: {  	[dreg:$0x0] =	wrdreg $0x60  }
0x26: {  	[dreg:$0x2] =	wrdreg s25  }
0x27: {  	[dreg:$0x3] =	wrdreg s2  }
0x28: {  	[dreg:$0x4] =	wrdreg $0x9  }
0x29: {  	_ =	task.clear_ibuf [dreg:s7], $0x5FFFF;
	_ =	strace $0x90000049  }
0x2a: {  	s29 =	simm.s32 $0x9;
	_ =	strace $0x8000004B  }
0x2b: {  	_ =	swait.ge [sflag:s29], $0x1  }
0x2c: {  	[sflag:s29] =	ssyncadd.s32 $0xFFFFFFFF  }
0x2d: {  	_ =	strace $0x9000004B  }
0x2e: {  	_ =	sfence  }
0x2f: {  	s30 =	sld [smem:$0x0];
	_ =	sdelay $0x2  }
0x30: {  	s31 =	sshll.u32 s1, $0xD;
	s1 =	sshrl.u32 s1, $0x2  }
0x31: {  	s3 =	sand.u32 $0x4000, s31;
	s1 =	sadd.s32 s1, s30  }
0x32: {  	s0 =	sor.u32 s3, s0;
	s1 =	sshll.u32 s1, $0x11  }
0x33: {  	s0 =	sor.u32 s1, s0  }
0x34: {  	s0 =	sadd.s32 $0x8F2B, s0  }
0x35: {  	[sflag:s0] =	ssyncadd.remote.s32 $0x1  }
0x36: {  	_ =	sfence.sel $0xFFFF  }
0x37: {  	[dreg:$0x0] =	wrdreg $0xFFFFFFFF;
	(pc) =	sbr.abs _section_cstart, $3  }
0x38: {  	[dreg:$0x1] =	wrdreg $0xFFFFFFFF  }
0x39: {  	_ =	task.clear_ibuf [dreg:s7], $0x2FFFF;
	_ =	strace $0x9FFFFFFF  }
0x3a: {  	(tm) =	ssettm $0x7FFFFFFF  }
0x3b: {  	_ =	shalt  }
tec
execute0_lowered:
.L_overlay_start_1:
0x0: {  	(tag) =	ssettag $0x1  }
0x1: {  	s0 =	srdreg.scid  }
0x2: {  	s1 =	sshll.u32 s0, $0x4  }
0x3: {  	s5 =	rddreg [dreg:$0x0];
	s0 =	stileid.u32;
	s1 =	sand.u32 $0x10, s1  }
0x4: {  	s3 =	rddreg [dreg:$0x1];
	s31 =	simm.s32 $0x2;
	s4 =	sor.u32 s0, s1  }
0x5: {  	s13 =	simm.s32 $0x0;
	s9 =	simm.s32 $0x400;
	s2 =	sshll.u32 s4, $0x7  }
0x6: {  	s10 =	simm.s32 $0x8000;
	s14 =	simm.s32 $0x0;
	s6 =	ssub.s32 $0x1000, s2  }
0x7: {  	s1 =	rddreg [dreg:$0x2];
	_ =	strace $0x8000004A;
	s7 =	sand.u32 $0xF80, s6  }
0x8: {  	s4 =	sshll.u32 s4, $0xB;
	p0 =	sne.s32 s7, $0x0;
	s7 =	simm.s32 $0x1  }
.Ltmp0:
0x9: {  	s6 =	sshrl.u32 s6, $0xC;
	s7 =	simm.s32 @!p0 $0x0;
	(pc) =	sbr.rel .LBB1_1-.Ltmp0, $4  }
0xa: {  	s8 =	sadd.s32 s4, s5;
	s4 =	simm.s32 $0x1;
	s30 =	sadd.s32 s7, s6  }
0xb: {  	s11 =	simm.s32 $0x0;
	[sflag:s4] =	ssyncpa.u1 $0x0;
	s5 =	smul.u32 $0x64, s30  }
0xc: {  	s12 =	simm.s32 $0x0;
	[sflag:s31] =	ssyncpa.u1 $0x0;
	p0 =	por $0x0, $0x0  }
0xd: {  	s6 =	sadd.s32 $0x800, s8;
	s7 =	sadd.s32 $0x10800, s8;
	s8 =	sor.u32 $0x1, s5  }
.LBB1_7:
0xe: {  	s15 =	sadd.s32 $0x2, s11  }
0xf: {  	p2 =	sgt.s32 s15, $0xC7  }
0x10: {  	s15 =	simm.s32 @p2 $0x0;
	p2 =	sne.s32 s12, s8  }
.Ltmp1:
0x11: {  	p1 =	slt.u32 s12, $0x2;
	(pc) =	sbr.rel @!p2 .LBB1_8-.Ltmp1, $4  }
0x12: {  	s13 =	simm.s32 @!p1 $0x2  }
0x13: {  	s16 =	sadd.s32 $0x1, s12;
	s14 =	smov.u32 s11;
	_ =	swait.ge @!p1 [sflag:s13], $0x4000  }
0x14: {  	p0 =	por !p0, !p0;
	s12 =	smov.u32 s16;
	[sflag:s13] =	ssyncset.done @!p1 $0x0  }
0x15: {  	s11 =	smov.u32 s15;
	[sflag:s13] =	ssyncadd.s32 @!p1 $0xFFFFC000;
	s13 =	smov.u32 s2  }
.LBB1_1:
0x16: {  	p1 =	sge.u32 s12, s5  }
0x17: {  	s15 =	sxor.u32 @!p1 $0xFFFFFFFF, s12  }
0x18: {  	s16 =	sshll.u32 @!p1 s11, $0x10;
	s18 =	simm.s32 @!p1 $0x40;
	s15 =	sshll.u32 @!p1 s15, $0xE  }
0x19: {  	s19 =	simm.s32 @!p1 $0x80;
	s17 =	sadd.s32 @!p1 s16, s6;
	s15 =	sand.u32 @!p1 $0x4000, s15  }
0x1a: {  	[tilespmem:s15], [sflag:$0x1] =	stream.strided.gather @!p1 [hbm4b:s17+s18], $0x2000, s19, s18, $0x38;
	[tilespmem:$0x10100] =	vst v63  }
0x1b: {  	s31 =	sadd.s32 $0xFFFFFFFF, s12;
	s16 =	sadd.s32 @!p1 s16, s7;
	s15 =	sor.u32 @!p1 $0x2000, s15  }
0x1c: {  	[tilespmem:s15], [sflag:$0x1] =	stream.strided.gather @!p1 [hbm4b:s16+s18], $0x2000, s19, s18, $0x38;
	[tilespmem:$0x10100] =	vst v63  }
0x1d: {  	p1 =	sge.u32 s31, s5  }
.Ltmp2:
0x1e: {  	_ = 	snop;
	(pc) =	sbr.rel @p1 .LBB1_7-.Ltmp2, $1  }
0x1f: {  	_ =	sdelay $0x3  }
0x20: {  	s15 =	simm.s32 $0x1;
	s17 =	sand.u32 $0x1, s12  }
0x21: {  	_ =	swait.ge [sflag:s4], $0x4000;
	s15 =	simm.s32 @!p0 $0x0;
	s17 =	smul.u32 $0x10200, s17  }
0x22: {  	p2 =	por $0x1, $0x1;
	[sflag:s4] =	ssyncset.done $0x0;
	s16 =	smul.u32 $0x10200, s15  }
0x23: {  	s18 =	sshll.u32 s15, $0x10;
	[sflag:s4] =	ssyncadd.s32 $0xFFFFC000;
	s30 =	sshrl.u32 s17, $0x2  }
0x24: {  	s31 =	sshrl.u32 s18, $0x2;
	s18 =	simm.s32 $0x0;
	s16 =	sshrl.u32 s16, $0x2  }
0x25: {  	s15 =	sor.u32 $0x8000, s30;
	s17 =	sadd.s32 $0x20, s31;
	s16 =	sor.u32 $0x8000, s16  }
.LBB1_3:
0x26: {  	s19 =	sshll.u32 s18, $0xD  }
0x27: {  	s19 =	sand.u32 $0x3FFFE000, s19  }
0x28: {  	s21 =	sadd.s32 s19, s17  }
0x29: {  	s31 =	smul.u32 $0x8100, s18;
	v3 =	vld [tilespmem:s21+$0x10]  }
0x2a: {  	v1 =	vld [tilespmem:s21+$0xFFFFFFF0]  }
0x2b: {  	s18 =	sshra.s32 s31, $0x2;
	v0 =	vld [tilespmem:s21+$0x0]  }
0x2c: {  	s18 =	sadd.s32 s18, s16;
	v2 =	vld [tilespmem:s21+$0xFFFFFFE0]  }
0x2d: {  	s19 =	sadd.s32 $0x0, s18  }
0x2e: {  	p1 =	por p2, p2;
	s20 =	simm.s32 $0x4;
	s21 =	sadd.s32 $0x40, s21;
	[tilespmem:s19+$0x1830 ss:$0x81] =	vst.msk $0xffff, v3  }
.LBB1_4:
0x2f: {  	v3 =	vld [tilespmem:s21+$0x10];
	p2 =	sne.s32 s20, $0x1FC;
	[tilespmem:s19+$0x810 ss:$0x81] =	vst.msk $0xffff, v1;
	s22 =	smov.u32 s20;
	s20 =	sadd.s32 $0x4, s20  }
.Ltmp3:
0x30: {  	v1 =	vld [tilespmem:s21+$0xFFFFFFF0];
	[tilespmem:s19+$0x1020 ss:$0x81] =	vst.msk $0xffff, v0;
	(pc) =	sbr.rel @p2 .LBB1_4-.Ltmp3, $4  }
0x31: {  	v0 =	vld [tilespmem:s21+$0x0];
	[tilespmem:s19+$0x0 ss:$0x81] =	vst.msk $0xffff, v2  }
0x32: {  	s19 =	sshra.s32 s22, $0x2;
	v2 =	vld [tilespmem:s21+$0xFFFFFFE0]  }
0x33: {  	s19 =	sadd.s32 s19, s18  }
0x34: {  	s21 =	sadd.s32 $0x40, s21;
	[tilespmem:s19+$0x1830 ss:$0x81] =	vst.msk $0xffff, v3  }
.Ltmp4:
0x35: {  	(pc) =	sbr.rel @p1 .LBB1_3-.Ltmp4, $4  }
0x36: {  	_ = 	snop  }
0x37: {  	[tilespmem:s19+$0x810 ss:$0x81] =	vst.msk $0xffff, v1  }
0x38: {  	[tilespmem:s19+$0x1020 ss:$0x81] =	vst.msk $0xffff, v0  }
0x39: {  	s18 =	simm.s32 $0x1;
	p2 =	por $0x0, $0x0;
	[tilespmem:s19+$0x0 ss:$0x81] =	vst.msk $0xffff, v2  }
.Ltmp5:
0x3a: {  	(pc) =	sbr.rel .LBB1_7-.Ltmp5, $4  }
0x3b: {  	s14 =	sshll.u32 s14, $0xF  }
0x3c: {  	s14 =	sadd.s32 s3, s14  }
0x3d: {  	s13 =	sadd.s32 s13, s14  }
0x3e: {  	[hbm4b:s13+s9] =	stream.strided.scatter [tilespmem:s15], [sflag:$0x2], $0x4000, s10, s9, $0x20;
	[tilespmem:$0x10100] =	vst v63  }
.LBB1_8:
0x3f: {  	_ =	sfence.sel $0x180000  }
0x40: {  	s2 =	simm.s32 $0x1;
	[bflag:$0x0] =	sbarrier.arrive $0xFFFF  }
0x41: {  	s31 =	simm.s32 $0x2;
	[sflag:s2] =	ssyncpa.u1 $0x1  }
0x42: {  	[sflag:s31] =	ssyncpa.u1 $0x1  }
0x43: {  	p0 =	sne.s32 s0, $0x0;
	_ =	strace $0x9000004A  }
0x44: {  	s0 =	sadd.s32 @!p0 $0x100000, s1;
	[bflag:$0x2] =	sbarrier.arrive $0xFFFF  }
0x45: {  	[sflag:s0] =	ssyncadd.tile.s32 @!p0 $0x1;
	_ =	shalt  }
.Lfunc_end1:
_tile_overlayer_lowered:
.L_overlay_start_2:
0x46: {  	(tag) =	ssettag $0x2  }
0x47: {  	s0 =	rddreg [dreg:$0x0];
	s2 =	stileid.u32  }
0x48: {  	s1 =	rddreg [dreg:$0x1];
	p0 =	sne.s32 s2, $0x0  }
0x49: {  	s3 =	rddreg [dreg:$0x2];
	[bflag:$0x3] =	sbarrier.arrive $0xFFFF;
	s2 =	simm.s32 @!p0 $0x1C01  }
0x4a: {  	[timem:s3], [sflag:s2] =	dma.local @!p0 [hbm:s0], s1  }
0x4b: {  	s0 =	simm.s32 @!p0 $0x1  }
0x4c: {  	_ =	swait.ge @!p0 [sflag:s0], s1  }
0x4d: {  	s1 =	ssub.s32 @!p0 $0x0, s1;
	[sflag:s0] =	ssyncset.done @!p0 $0x0  }
0x4e: {  	[sflag:s0] =	ssyncadd.s32 @!p0 s1  }
0x4f: {  	[bflag:$0x3] =	sbarrier.arrive $0xFFFF  }
0x50: {  	_ =	shalt  }

</sc_bundles>
